<compile_context>
chip_gen: v7x
topology: tpu7x:2x2x1
jax: 0.10.2.dev20260603
libtpu: 0.0.44.dev20260713+nightly
codegen_flags: <defaults>
</compile_context>

<pallas_src>
import functools

import jax
import jax.numpy as jnp
from jax import lax
from jax.experimental import pallas as pl
from jax.experimental.pallas import tpu as pltpu
from jax.experimental.pallas import tpu_sc as plsc

THETA_MIN = 1.0
THETA_MAX = 5.0
A_MIN = 1.0
A_MAX = 3.0

BATCH = 16384
NC = 2
NS = 16
NW = NC * NS
BPW = BATCH // NW
L = 16


def _sigmoid(x):
    return 1.0 / (1.0 + jnp.exp(-x))


_mesh = plsc.VectorSubcoreMesh(core_axis_name="c", subcore_axis_name="s")


@functools.partial(
    pl.kernel,
    mesh=_mesh,
    out_type=(
        jax.ShapeDtypeStruct((BATCH,), jnp.float32),
        jax.ShapeDtypeStruct((BATCH,), jnp.float32),
    ),
    scratch_types=[
        pltpu.VMEM((BPW,), jnp.int32),
        pltpu.VMEM((BPW,), jnp.float32),
        pltpu.VMEM((BPW,), jnp.float32),
        pltpu.VMEM((BPW,), jnp.float32),
        pltpu.VMEM((BPW,), jnp.float32),
        pltpu.SemaphoreType.DMA,
        pltpu.SemaphoreType.DMA,
    ],
)
def _item_sc_kernel(a_hbm, b_hbm, iid_hbm, pa_hbm, pb_hbm,
                    iid_v, av_v, bv_v, pa_v, pb_v, isem, gsem):
    wid = lax.axis_index("s") * NC + lax.axis_index("c")
    base = wid * BPW

    pltpu.async_copy(iid_hbm.at[pl.ds(base, BPW)], iid_v, isem).wait()
    acp = pltpu.async_copy(a_hbm.at[iid_v], av_v, gsem)
    bcp = pltpu.async_copy(b_hbm.at[iid_v], bv_v, gsem)
    acp.wait()
    bcp.wait()

    def body(i, carry):
        s = pl.ds(i * L, L)
        pa_v[s] = _sigmoid(av_v[s]) * (A_MAX - A_MIN) + A_MIN
        pb_v[s] = _sigmoid(bv_v[s]) * (THETA_MAX - THETA_MIN) + THETA_MIN
        return carry

    lax.fori_loop(0, BPW // L, body, 0)

    pcp = pltpu.async_copy(pa_v, pa_hbm.at[pl.ds(base, BPW)], isem)
    qcp = pltpu.async_copy(pb_v, pb_hbm.at[pl.ds(base, BPW)], isem)
    pcp.wait()
    qcp.wait()


@functools.partial(
    pl.kernel,
    mesh=_mesh,
    out_type=jax.ShapeDtypeStruct((BATCH,), jnp.float32),
    scratch_types=[
        pltpu.VMEM((BPW,), jnp.int32),
        pltpu.VMEM((BPW,), jnp.float32),
        pltpu.VMEM((BPW,), jnp.float32),
        pltpu.VMEM((BPW,), jnp.float32),
        pltpu.VMEM((BPW,), jnp.float32),
        pltpu.SemaphoreType.DMA,
        pltpu.SemaphoreType.DMA,
    ],
)
def _combine_sc_kernel(theta_hbm, pa_hbm, pb_hbm, rid_hbm, out_hbm,
                       rid_v, th_v, pa_v, pb_v, out_v, isem, gsem):
    wid = lax.axis_index("s") * NC + lax.axis_index("c")
    base = wid * BPW

    rcp = pltpu.async_copy(rid_hbm.at[pl.ds(base, BPW)], rid_v, isem)
    pcp = pltpu.async_copy(pa_hbm.at[pl.ds(base, BPW)], pa_v, isem)
    qcp = pltpu.async_copy(pb_hbm.at[pl.ds(base, BPW)], pb_v, isem)
    rcp.wait()
    tcp = pltpu.async_copy(theta_hbm.at[rid_v], th_v, gsem)
    pcp.wait()
    qcp.wait()
    tcp.wait()

    def body(i, carry):
        s = pl.ds(i * L, L)
        theta = _sigmoid(th_v[s]) * (THETA_MAX - THETA_MIN) + THETA_MIN
        out_v[s] = _sigmoid(pa_v[s] * (theta - pb_v[s]))
        return carry

    lax.fori_loop(0, BPW // L, body, 0)

    pltpu.sync_copy(out_v, out_hbm.at[pl.ds(base, BPW)])


def kernel(respondent_ids, item_ids, a_raw, b_raw, theta_raw):
    rid = respondent_ids.astype(jnp.int32)
    iid = item_ids.astype(jnp.int32)
    pa, pb = _item_sc_kernel(a_raw.reshape(-1), b_raw.reshape(-1), iid)
    return _combine_sc_kernel(theta_raw.reshape(-1), pa, pb, rid)

# --- scband reference (transcript-rebuilt; emitter-appended) ---
"""Pipeline reference for scband-irtnet-19894288515215 (READ-ONLY COPY).

The authoritative reference and input builder live on the scoring server;
editing this copy changes nothing except your own understanding.
"""

import jax, jax.numpy as jnp
import numpy as np

N_RESPONDENT = 1000000
N_ITEM = 100000
BATCH = 16384
THETA_MIN = 1.0
THETA_MAX = 5.0
A_MIN = 1.0
A_MAX = 3.0


def setup_inputs(seed: int = 0) -> dict:
    key = jax.random.key(seed)
    k1, k2 = jax.random.split(key, 2)
    respondent_ids = jax.random.randint(k1, (BATCH,), 0, N_RESPONDENT, dtype=jnp.int64 if jax.config.jax_enable_x64 else jnp.int32)
    item_ids = jax.random.randint(k2, (BATCH,), 0, N_ITEM, dtype=jnp.int64 if jax.config.jax_enable_x64 else jnp.int32)
    # learned parameters, initialized exactly as in the torch module
    a_raw = jnp.zeros((N_ITEM, 1), dtype=jnp.float32)
    b_raw = jnp.full((N_ITEM, 1), -0.1, dtype=jnp.float32)
    theta_raw = jnp.full((N_RESPONDENT, 1), 0.1, dtype=jnp.float32)
    return {
        "respondent_ids": respondent_ids,
        "item_ids": item_ids,
        "a_raw": a_raw,
        "b_raw": b_raw,
        "theta_raw": theta_raw,
    }


def reference(respondent_ids, item_ids, a_raw, b_raw, theta_raw):
    # embedding lookups (gather rows) + affine squash via sigmoid
    theta = jax.nn.sigmoid(jnp.take(theta_raw, respondent_ids, axis=0)) * (THETA_MAX - THETA_MIN) + THETA_MIN
    theta = jnp.squeeze(theta, axis=-1)
    item_a = jax.nn.sigmoid(jnp.take(a_raw, item_ids, axis=0)) * (A_MAX - A_MIN) + A_MIN
    item_a = jnp.squeeze(item_a, axis=-1)
    item_b = jax.nn.sigmoid(jnp.take(b_raw, item_ids, axis=0)) * (THETA_MAX - THETA_MIN) + THETA_MIN
    item_b = jnp.squeeze(item_b, axis=-1)
    y_pred = jax.nn.sigmoid(item_a * (theta - item_b))
    return y_pred

if __name__ == "__main__":
    import jax
    _d = setup_inputs()
    print(jax.jit(kernel)(*tuple(_d.values())))

</pallas_src>

<mosaic_0001>
#map = affine_map<(d0, d1) -> (0)>
module attributes {stable_mosaic.version = 14 : i64} {
  func.func @_item_sc_kernel(%arg0: i32, %arg1: i32, %arg2: memref<100000xf32, #tpu.memory_space<hbm>>, %arg3: memref<100000xf32, #tpu.memory_space<hbm>>, %arg4: memref<16384xi32, #tpu.memory_space<hbm>>, %arg5: memref<16384xf32, #tpu.memory_space<hbm>>, %arg6: memref<16384xf32, #tpu.memory_space<hbm>>, %arg7: memref<512xi32, #tpu.memory_space<vmem>>, %arg8: memref<512xf32, #tpu.memory_space<vmem>>, %arg9: memref<512xf32, #tpu.memory_space<vmem>>, %arg10: memref<512xf32, #tpu.memory_space<vmem>>, %arg11: memref<512xf32, #tpu.memory_space<vmem>>, %arg12: memref<!tpu.dma_semaphore, #tpu.memory_space<semaphore_mem>>, %arg13: memref<!tpu.dma_semaphore, #tpu.memory_space<semaphore_mem>>) attributes {dimension_semantics = [#tpu.dimension_semantics<core_parallel>, #tpu.dimension_semantics<subcore_parallel>], iteration_bounds = array<i64: 2, 16>, scalar_prefetch = 0 : i64, scratch_operands = 7 : i64, tpu.core_type = #tpu.core_type<sc_vector_subcore>, window_params = [{transform_indices = #map}, {transform_indices = #map}, {transform_indices = #map}, {transform_indices = #map}, {transform_indices = #map}]} {
    %mul3A = arith.constant 2 : i32
    %mul3A_0 = arith.muli %arg1, %mul3A : i32
    %add3A = arith.addi %mul3A_0, %arg0 : i32
    %mul3A_1 = arith.constant 512 : i32
    %mul3A_2 = arith.muli %add3A, %mul3A_1 : i32
    %dma_start3A = tpu.memref_slice %arg4[%mul3A_2] : memref<16384xi32, #tpu.memory_space<hbm>> -> memref<512xi32, #tpu.memory_space<hbm>>
    %dma_start3A_3 = tpu.memref_slice %arg4[%mul3A_2] : memref<16384xi32, #tpu.memory_space<hbm>> -> memref<512xi32, #tpu.memory_space<hbm>>
    tpu.enqueue_dma source(%dma_start3A_3 : memref<512xi32, #tpu.memory_space<hbm>>) target(%arg7 : memref<512xi32, #tpu.memory_space<vmem>>) target_semaphore(%arg12 : memref<!tpu.dma_semaphore, #tpu.memory_space<semaphore_mem>>)
    %dma_wait3A = tpu.memref_slice %arg4[%mul3A_2] : memref<16384xi32, #tpu.memory_space<hbm>> -> memref<512xi32, #tpu.memory_space<hbm>>
    %dma_wait3A_4 = tpu.memref_slice %arg4[%mul3A_2] : memref<16384xi32, #tpu.memory_space<hbm>> -> memref<512xi32, #tpu.memory_space<hbm>>
    tpu.wait_dma2 semaphore(%arg12 : memref<!tpu.dma_semaphore, #tpu.memory_space<semaphore_mem>>) src(%dma_wait3A_4 : memref<512xi32, #tpu.memory_space<hbm>>) dst(%arg7 : memref<512xi32, #tpu.memory_space<vmem>>)
    %dma_start3A_5 = arith.constant 0 : i32
    %dma_start3A_6 = tpu.memref_slice %arg2[%dma_start3A_5] : memref<100000xf32, #tpu.memory_space<hbm>> -> memref<100000xf32, #tpu.memory_space<hbm>>
    tpu.enqueue_indirect_dma source(%dma_start3A_6 : memref<100000xf32, #tpu.memory_space<hbm>>) target(%arg8 : memref<512xf32, #tpu.memory_space<vmem>>) offsets(%arg7 : memref<512xi32, #tpu.memory_space<vmem>>) semaphore(%arg13 : memref<!tpu.dma_semaphore, #tpu.memory_space<semaphore_mem>>)
    %dma_start3A_7 = arith.constant 0 : i32
    %dma_start3A_8 = tpu.memref_slice %arg3[%dma_start3A_7] : memref<100000xf32, #tpu.memory_space<hbm>> -> memref<100000xf32, #tpu.memory_space<hbm>>
    tpu.enqueue_indirect_dma source(%dma_start3A_8 : memref<100000xf32, #tpu.memory_space<hbm>>) target(%arg9 : memref<512xf32, #tpu.memory_space<vmem>>) offsets(%arg7 : memref<512xi32, #tpu.memory_space<vmem>>) semaphore(%arg13 : memref<!tpu.dma_semaphore, #tpu.memory_space<semaphore_mem>>)
    %dma_wait3A_9 = arith.constant 0 : i32
    %dma_wait3A_10 = tpu.memref_slice %arg2[%dma_wait3A_9] : memref<100000xf32, #tpu.memory_space<hbm>> -> memref<100000xf32, #tpu.memory_space<hbm>>
    tpu.wait_indirect_dma semaphore(%arg13 : memref<!tpu.dma_semaphore, #tpu.memory_space<semaphore_mem>>) src(%dma_wait3A_10 : memref<100000xf32, #tpu.memory_space<hbm>>) dst(%arg8 : memref<512xf32, #tpu.memory_space<vmem>>)
    %dma_wait3A_11 = arith.constant 0 : i32
    %dma_wait3A_12 = tpu.memref_slice %arg3[%dma_wait3A_11] : memref<100000xf32, #tpu.memory_space<hbm>> -> memref<100000xf32, #tpu.memory_space<hbm>>
    tpu.wait_indirect_dma semaphore(%arg13 : memref<!tpu.dma_semaphore, #tpu.memory_space<semaphore_mem>>) src(%dma_wait3A_12 : memref<100000xf32, #tpu.memory_space<hbm>>) dst(%arg9 : memref<512xf32, #tpu.memory_space<vmem>>)
    %scan3A = arith.constant 0 : i32
    %scan3A_13 = arith.constant 0 : i32
    %scan3A_14 = arith.constant 32 : i32
    %scan3A_15 = arith.addi %scan3A_13, %scan3A_14 : i32
    %scan3A_16 = arith.constant 1 : i32
    scf.for %scan3A_26 = %scan3A_13 to %scan3A_15 step %scan3A_16  : i32 {
      %mul3A_27 = arith.constant 16 : i32
      %mul3A_28 = arith.muli %scan3A_26, %mul3A_27 : i32
      %get3A = arith.index_cast %mul3A_28 : i32 to index
      %get3A_29 = tpu.vector_load %arg8[%get3A] {strides = array<i32>} : memref<512xf32, #tpu.memory_space<vmem>>, vector<16xf32>,
      %get3A_30 = vector.shape_cast %get3A_29 : vector<16xf32> to vector<16xf32>
      %neg3A = arith.constant 0.000000e+00 : f32
      %neg3A_31 = vector.broadcast %neg3A : f32 to vector<16xf32>
      %neg3A_32 = arith.subf %neg3A_31, %get3A_30 : vector<16xf32>
      %exp3A = math.exp %neg3A_32 : vector<16xf32>
      %add3A_33 = arith.constant 1.000000e+00 : f32
      %add3A_34 = vector.broadcast %add3A_33 : f32 to vector<16xf32>
      %add3A_35 = arith.addf %add3A_34, %exp3A : vector<16xf32>
      %div3A = arith.constant 1.000000e+00 : f32
      %div3A_36 = vector.broadcast %div3A : f32 to vector<16xf32>
      %div3A_37 = arith.divf %div3A_36, %add3A_35 : vector<16xf32>
      %mul3A_38 = arith.constant 2.000000e+00 : f32
      %mul3A_39 = vector.broadcast %mul3A_38 : f32 to vector<16xf32>
      %mul3A_40 = arith.mulf %div3A_37, %mul3A_39 : vector<16xf32>
      %add3A_41 = arith.constant 1.000000e+00 : f32
      %add3A_42 = vector.broadcast %add3A_41 : f32 to vector<16xf32>
      %add3A_43 = arith.addf %mul3A_40, %add3A_42 : vector<16xf32>
      %swap3A = arith.index_cast %mul3A_28 : i32 to index
      %swap3A_44 = tpu.vector_load %arg10[%swap3A] {strides = array<i32>} : memref<512xf32, #tpu.memory_space<vmem>>, vector<16xf32>,
      %swap3A_45 = vector.shape_cast %swap3A_44 : vector<16xf32> to vector<16xf32>
      %swap3A_46 = vector.shape_cast %add3A_43 : vector<16xf32> to vector<16xf32>
      tpu.vector_store %arg10[%swap3A], %swap3A_46 {strides = array<i32>} : memref<512xf32, #tpu.memory_space<vmem>>, vector<16xf32>,
      %get3A_47 = arith.index_cast %mul3A_28 : i32 to index
      %get3A_48 = tpu.vector_load %arg9[%get3A_47] {strides = array<i32>} : memref<512xf32, #tpu.memory_space<vmem>>, vector<16xf32>,
      %get3A_49 = vector.shape_cast %get3A_48 : vector<16xf32> to vector<16xf32>
      %neg3A_50 = arith.constant 0.000000e+00 : f32
      %neg3A_51 = vector.broadcast %neg3A_50 : f32 to vector<16xf32>
      %neg3A_52 = arith.subf %neg3A_51, %get3A_49 : vector<16xf32>
      %exp3A_53 = math.exp %neg3A_52 : vector<16xf32>
      %add3A_54 = arith.constant 1.000000e+00 : f32
      %add3A_55 = vector.broadcast %add3A_54 : f32 to vector<16xf32>
      %add3A_56 = arith.addf %add3A_55, %exp3A_53 : vector<16xf32>
      %div3A_57 = arith.constant 1.000000e+00 : f32
      %div3A_58 = vector.broadcast %div3A_57 : f32 to vector<16xf32>
      %div3A_59 = arith.divf %div3A_58, %add3A_56 : vector<16xf32>
      %mul3A_60 = arith.constant 4.000000e+00 : f32
      %mul3A_61 = vector.broadcast %mul3A_60 : f32 to vector<16xf32>
      %mul3A_62 = arith.mulf %div3A_59, %mul3A_61 : vector<16xf32>
      %add3A_63 = arith.constant 1.000000e+00 : f32
      %add3A_64 = vector.broadcast %add3A_63 : f32 to vector<16xf32>
      %add3A_65 = arith.addf %mul3A_62, %add3A_64 : vector<16xf32>
      %swap3A_66 = arith.index_cast %mul3A_28 : i32 to index
      %swap3A_67 = tpu.vector_load %arg11[%swap3A_66] {strides = array<i32>} : memref<512xf32, #tpu.memory_space<vmem>>, vector<16xf32>,
      %swap3A_68 = vector.shape_cast %swap3A_67 : vector<16xf32> to vector<16xf32>
      %swap3A_69 = vector.shape_cast %add3A_65 : vector<16xf32> to vector<16xf32>
      tpu.vector_store %arg11[%swap3A_66], %swap3A_69 {strides = array<i32>} : memref<512xf32, #tpu.memory_space<vmem>>, vector<16xf32>,
    }
    %scan3A_17 = arith.constant 32 : i32
    %dma_start3A_18 = tpu.memref_slice %arg5[%mul3A_2] : memref<16384xf32, #tpu.memory_space<hbm>> -> memref<512xf32, #tpu.memory_space<hbm>>
    %dma_start3A_19 = tpu.memref_slice %arg5[%mul3A_2] : memref<16384xf32, #tpu.memory_space<hbm>> -> memref<512xf32, #tpu.memory_space<hbm>>
    tpu.enqueue_dma source(%arg10 : memref<512xf32, #tpu.memory_space<vmem>>) target(%dma_start3A_19 : memref<512xf32, #tpu.memory_space<hbm>>) target_semaphore(%arg12 : memref<!tpu.dma_semaphore, #tpu.memory_space<semaphore_mem>>)
    %dma_start3A_20 = tpu.memref_slice %arg6[%mul3A_2] : memref<16384xf32, #tpu.memory_space<hbm>> -> memref<512xf32, #tpu.memory_space<hbm>>
    %dma_start3A_21 = tpu.memref_slice %arg6[%mul3A_2] : memref<16384xf32, #tpu.memory_space<hbm>> -> memref<512xf32, #tpu.memory_space<hbm>>
    tpu.enqueue_dma source(%arg11 : memref<512xf32, #tpu.memory_space<vmem>>) target(%dma_start3A_21 : memref<512xf32, #tpu.memory_space<hbm>>) target_semaphore(%arg12 : memref<!tpu.dma_semaphore, #tpu.memory_space<semaphore_mem>>)
    %dma_wait3A_22 = tpu.memref_slice %arg5[%mul3A_2] : memref<16384xf32, #tpu.memory_space<hbm>> -> memref<512xf32, #tpu.memory_space<hbm>>
    %dma_wait3A_23 = tpu.memref_slice %arg5[%mul3A_2] : memref<16384xf32, #tpu.memory_space<hbm>> -> memref<512xf32, #tpu.memory_space<hbm>>
    tpu.wait_dma2 semaphore(%arg12 : memref<!tpu.dma_semaphore, #tpu.memory_space<semaphore_mem>>) src(%arg10 : memref<512xf32, #tpu.memory_space<vmem>>) dst(%dma_wait3A_23 : memref<512xf32, #tpu.memory_space<hbm>>)
    %dma_wait3A_24 = tpu.memref_slice %arg6[%mul3A_2] : memref<16384xf32, #tpu.memory_space<hbm>> -> memref<512xf32, #tpu.memory_space<hbm>>
    %dma_wait3A_25 = tpu.memref_slice %arg6[%mul3A_2] : memref<16384xf32, #tpu.memory_space<hbm>> -> memref<512xf32, #tpu.memory_space<hbm>>
    tpu.wait_dma2 semaphore(%arg12 : memref<!tpu.dma_semaphore, #tpu.memory_space<semaphore_mem>>) src(%arg11 : memref<512xf32, #tpu.memory_space<vmem>>) dst(%dma_wait3A_25 : memref<512xf32, #tpu.memory_space<hbm>>)
    return
  }
}

#map = affine_map<(d0, d1) -> (0)>
module attributes {stable_mosaic.version = 14 : i64} {
  func.func @_combine_sc_kernel(%arg0: i32, %arg1: i32, %arg2: memref<1000000xf32, #tpu.memory_space<hbm>>, %arg3: memref<16384xf32, #tpu.memory_space<hbm>>, %arg4: memref<16384xf32, #tpu.memory_space<hbm>>, %arg5: memref<16384xi32, #tpu.memory_space<hbm>>, %arg6: memref<16384xf32, #tpu.memory_space<hbm>>, %arg7: memref<512xi32, #tpu.memory_space<vmem>>, %arg8: memref<512xf32, #tpu.memory_space<vmem>>, %arg9: memref<512xf32, #tpu.memory_space<vmem>>, %arg10: memref<512xf32, #tpu.memory_space<vmem>>, %arg11: memref<512xf32, #tpu.memory_space<vmem>>, %arg12: memref<!tpu.dma_semaphore, #tpu.memory_space<semaphore_mem>>, %arg13: memref<!tpu.dma_semaphore, #tpu.memory_space<semaphore_mem>>) attributes {dimension_semantics = [#tpu.dimension_semantics<core_parallel>, #tpu.dimension_semantics<subcore_parallel>], iteration_bounds = array<i64: 2, 16>, scalar_prefetch = 0 : i64, scratch_operands = 7 : i64, tpu.core_type = #tpu.core_type<sc_vector_subcore>, window_params = [{transform_indices = #map}, {transform_indices = #map}, {transform_indices = #map}, {transform_indices = #map}, {transform_indices = #map}]} {
    %mul3A = arith.constant 2 : i32
    %mul3A_0 = arith.muli %arg1, %mul3A : i32
    %add3A = arith.addi %mul3A_0, %arg0 : i32
    %mul3A_1 = arith.constant 512 : i32
    %mul3A_2 = arith.muli %add3A, %mul3A_1 : i32
    %dma_start3A = tpu.memref_slice %arg5[%mul3A_2] : memref<16384xi32, #tpu.memory_space<hbm>> -> memref<512xi32, #tpu.memory_space<hbm>>
    %dma_start3A_3 = tpu.memref_slice %arg5[%mul3A_2] : memref<16384xi32, #tpu.memory_space<hbm>> -> memref<512xi32, #tpu.memory_space<hbm>>
    tpu.enqueue_dma source(%dma_start3A_3 : memref<512xi32, #tpu.memory_space<hbm>>) target(%arg7 : memref<512xi32, #tpu.memory_space<vmem>>) target_semaphore(%arg12 : memref<!tpu.dma_semaphore, #tpu.memory_space<semaphore_mem>>)
    %dma_start3A_4 = tpu.memref_slice %arg3[%mul3A_2] : memref<16384xf32, #tpu.memory_space<hbm>> -> memref<512xf32, #tpu.memory_space<hbm>>
    %dma_start3A_5 = tpu.memref_slice %arg3[%mul3A_2] : memref<16384xf32, #tpu.memory_space<hbm>> -> memref<512xf32, #tpu.memory_space<hbm>>
    tpu.enqueue_dma source(%dma_start3A_5 : memref<512xf32, #tpu.memory_space<hbm>>) target(%arg9 : memref<512xf32, #tpu.memory_space<vmem>>) target_semaphore(%arg12 : memref<!tpu.dma_semaphore, #tpu.memory_space<semaphore_mem>>)
    %dma_start3A_6 = tpu.memref_slice %arg4[%mul3A_2] : memref<16384xf32, #tpu.memory_space<hbm>> -> memref<512xf32, #tpu.memory_space<hbm>>
    %dma_start3A_7 = tpu.memref_slice %arg4[%mul3A_2] : memref<16384xf32, #tpu.memory_space<hbm>> -> memref<512xf32, #tpu.memory_space<hbm>>
    tpu.enqueue_dma source(%dma_start3A_7 : memref<512xf32, #tpu.memory_space<hbm>>) target(%arg10 : memref<512xf32, #tpu.memory_space<vmem>>) target_semaphore(%arg12 : memref<!tpu.dma_semaphore, #tpu.memory_space<semaphore_mem>>)
    %dma_wait3A = tpu.memref_slice %arg5[%mul3A_2] : memref<16384xi32, #tpu.memory_space<hbm>> -> memref<512xi32, #tpu.memory_space<hbm>>
    %dma_wait3A_8 = tpu.memref_slice %arg5[%mul3A_2] : memref<16384xi32, #tpu.memory_space<hbm>> -> memref<512xi32, #tpu.memory_space<hbm>>
    tpu.wait_dma2 semaphore(%arg12 : memref<!tpu.dma_semaphore, #tpu.memory_space<semaphore_mem>>) src(%dma_wait3A_8 : memref<512xi32, #tpu.memory_space<hbm>>) dst(%arg7 : memref<512xi32, #tpu.memory_space<vmem>>)
    %dma_start3A_9 = arith.constant 0 : i32
    %dma_start3A_10 = tpu.memref_slice %arg2[%dma_start3A_9] : memref<1000000xf32, #tpu.memory_space<hbm>> -> memref<1000000xf32, #tpu.memory_space<hbm>>
    tpu.enqueue_indirect_dma source(%dma_start3A_10 : memref<1000000xf32, #tpu.memory_space<hbm>>) target(%arg8 : memref<512xf32, #tpu.memory_space<vmem>>) offsets(%arg7 : memref<512xi32, #tpu.memory_space<vmem>>) semaphore(%arg13 : memref<!tpu.dma_semaphore, #tpu.memory_space<semaphore_mem>>)
    %dma_wait3A_11 = tpu.memref_slice %arg3[%mul3A_2] : memref<16384xf32, #tpu.memory_space<hbm>> -> memref<512xf32, #tpu.memory_space<hbm>>
    %dma_wait3A_12 = tpu.memref_slice %arg3[%mul3A_2] : memref<16384xf32, #tpu.memory_space<hbm>> -> memref<512xf32, #tpu.memory_space<hbm>>
    tpu.wait_dma2 semaphore(%arg12 : memref<!tpu.dma_semaphore, #tpu.memory_space<semaphore_mem>>) src(%dma_wait3A_12 : memref<512xf32, #tpu.memory_space<hbm>>) dst(%arg9 : memref<512xf32, #tpu.memory_space<vmem>>)
    %dma_wait3A_13 = tpu.memref_slice %arg4[%mul3A_2] : memref<16384xf32, #tpu.memory_space<hbm>> -> memref<512xf32, #tpu.memory_space<hbm>>
    %dma_wait3A_14 = tpu.memref_slice %arg4[%mul3A_2] : memref<16384xf32, #tpu.memory_space<hbm>> -> memref<512xf32, #tpu.memory_space<hbm>>
    tpu.wait_dma2 semaphore(%arg12 : memref<!tpu.dma_semaphore, #tpu.memory_space<semaphore_mem>>) src(%dma_wait3A_14 : memref<512xf32, #tpu.memory_space<hbm>>) dst(%arg10 : memref<512xf32, #tpu.memory_space<vmem>>)
    %dma_wait3A_15 = arith.constant 0 : i32
    %dma_wait3A_16 = tpu.memref_slice %arg2[%dma_wait3A_15] : memref<1000000xf32, #tpu.memory_space<hbm>> -> memref<1000000xf32, #tpu.memory_space<hbm>>
    tpu.wait_indirect_dma semaphore(%arg13 : memref<!tpu.dma_semaphore, #tpu.memory_space<semaphore_mem>>) src(%dma_wait3A_16 : memref<1000000xf32, #tpu.memory_space<hbm>>) dst(%arg8 : memref<512xf32, #tpu.memory_space<vmem>>)
    %scan3A = arith.constant 0 : i32
    %scan3A_17 = arith.constant 0 : i32
    %scan3A_18 = arith.constant 32 : i32
    %scan3A_19 = arith.addi %scan3A_17, %scan3A_18 : i32
    %scan3A_20 = arith.constant 1 : i32
    scf.for %scan3A_22 = %scan3A_17 to %scan3A_19 step %scan3A_20  : i32 {
      %mul3A_23 = arith.constant 16 : i32
      %mul3A_24 = arith.muli %scan3A_22, %mul3A_23 : i32
      %get3A = arith.index_cast %mul3A_24 : i32 to index
      %get3A_25 = tpu.vector_load %arg8[%get3A] {strides = array<i32>} : memref<512xf32, #tpu.memory_space<vmem>>, vector<16xf32>,
      %get3A_26 = vector.shape_cast %get3A_25 : vector<16xf32> to vector<16xf32>
      %neg3A = arith.constant 0.000000e+00 : f32
      %neg3A_27 = vector.broadcast %neg3A : f32 to vector<16xf32>
      %neg3A_28 = arith.subf %neg3A_27, %get3A_26 : vector<16xf32>
      %exp3A = math.exp %neg3A_28 : vector<16xf32>
      %add3A_29 = arith.constant 1.000000e+00 : f32
      %add3A_30 = vector.broadcast %add3A_29 : f32 to vector<16xf32>
      %add3A_31 = arith.addf %add3A_30, %exp3A : vector<16xf32>
      %div3A = arith.constant 1.000000e+00 : f32
      %div3A_32 = vector.broadcast %div3A : f32 to vector<16xf32>
      %div3A_33 = arith.divf %div3A_32, %add3A_31 : vector<16xf32>
      %mul3A_34 = arith.constant 4.000000e+00 : f32
      %mul3A_35 = vector.broadcast %mul3A_34 : f32 to vector<16xf32>
      %mul3A_36 = arith.mulf %div3A_33, %mul3A_35 : vector<16xf32>
      %add3A_37 = arith.constant 1.000000e+00 : f32
      %add3A_38 = vector.broadcast %add3A_37 : f32 to vector<16xf32>
      %add3A_39 = arith.addf %mul3A_36, %add3A_38 : vector<16xf32>
      %get3A_40 = arith.index_cast %mul3A_24 : i32 to index
      %get3A_41 = tpu.vector_load %arg9[%get3A_40] {strides = array<i32>} : memref<512xf32, #tpu.memory_space<vmem>>, vector<16xf32>,
      %get3A_42 = vector.shape_cast %get3A_41 : vector<16xf32> to vector<16xf32>
      %get3A_43 = arith.index_cast %mul3A_24 : i32 to index
      %get3A_44 = tpu.vector_load %arg10[%get3A_43] {strides = array<i32>} : memref<512xf32, #tpu.memory_space<vmem>>, vector<16xf32>,
      %get3A_45 = vector.shape_cast %get3A_44 : vector<16xf32> to vector<16xf32>
      %sub3A = arith.subf %add3A_39, %get3A_45 : vector<16xf32>
      %mul3A_46 = arith.mulf %get3A_42, %sub3A : vector<16xf32>
      %neg3A_47 = arith.constant 0.000000e+00 : f32
      %neg3A_48 = vector.broadcast %neg3A_47 : f32 to vector<16xf32>
      %neg3A_49 = arith.subf %neg3A_48, %mul3A_46 : vector<16xf32>
      %exp3A_50 = math.exp %neg3A_49 : vector<16xf32>
      %add3A_51 = arith.constant 1.000000e+00 : f32
      %add3A_52 = vector.broadcast %add3A_51 : f32 to vector<16xf32>
      %add3A_53 = arith.addf %add3A_52, %exp3A_50 : vector<16xf32>
      %div3A_54 = arith.constant 1.000000e+00 : f32
      %div3A_55 = vector.broadcast %div3A_54 : f32 to vector<16xf32>
      %div3A_56 = arith.divf %div3A_55, %add3A_53 : vector<16xf32>
      %swap3A = arith.index_cast %mul3A_24 : i32 to index
      %swap3A_57 = tpu.vector_load %arg11[%swap3A] {strides = array<i32>} : memref<512xf32, #tpu.memory_space<vmem>>, vector<16xf32>,
      %swap3A_58 = vector.shape_cast %swap3A_57 : vector<16xf32> to vector<16xf32>
      %swap3A_59 = vector.shape_cast %div3A_56 : vector<16xf32> to vector<16xf32>
      tpu.vector_store %arg11[%swap3A], %swap3A_59 {strides = array<i32>} : memref<512xf32, #tpu.memory_space<vmem>>, vector<16xf32>,
    }
    %scan3A_21 = arith.constant 32 : i32
    "tpu.region"() ({
      %run_scoped3A = tpu.sem_alloc : memref<!tpu.dma_semaphore, #tpu.memory_space<semaphore_mem>>
      %dma_start3A_22 = tpu.memref_slice %arg6[%mul3A_2] : memref<16384xf32, #tpu.memory_space<hbm>> -> memref<512xf32, #tpu.memory_space<hbm>>
      %dma_start3A_23 = tpu.memref_slice %arg6[%mul3A_2] : memref<16384xf32, #tpu.memory_space<hbm>> -> memref<512xf32, #tpu.memory_space<hbm>>
      tpu.enqueue_dma source(%arg11 : memref<512xf32, #tpu.memory_space<vmem>>) target(%dma_start3A_23 : memref<512xf32, #tpu.memory_space<hbm>>) target_semaphore(%run_scoped3A : memref<!tpu.dma_semaphore, #tpu.memory_space<semaphore_mem>>)
      %dma_wait3A_24 = tpu.memref_slice %arg6[%mul3A_2] : memref<16384xf32, #tpu.memory_space<hbm>> -> memref<512xf32, #tpu.memory_space<hbm>>
      %dma_wait3A_25 = tpu.memref_slice %arg6[%mul3A_2] : memref<16384xf32, #tpu.memory_space<hbm>> -> memref<512xf32, #tpu.memory_space<hbm>>
      tpu.wait_dma2 semaphore(%run_scoped3A : memref<!tpu.dma_semaphore, #tpu.memory_space<semaphore_mem>>) src(%arg11 : memref<512xf32, #tpu.memory_space<vmem>>) dst(%dma_wait3A_25 : memref<512xf32, #tpu.memory_space<hbm>>)
      tpu.yield
    }) : () -> ()
    return
  }
}

</mosaic_0001>

<sc_bundles>
// kernel: kernel.4.cloned.1.call-start
scs
__scs_entry_jumppad:
0x0: {  	(pc) =	sbr.rel $0x88, $3  }
0x1: {  	(tag) =	ssettag $0x0;
	lr =	simm.s32 $0x1  }
0x2: {  	[smem:$0x3F9C] =	sst lr;
	_ =	strace $0xD0000000  }
0x3: {  	_ = 	snop  }
0x4: {  	_ = 	snop  }
0x5: {  	_ = 	snop  }
0x6: {  	_ = 	snop  }
0x7: {  	_ = 	snop  }
__scs_overlays_trampoline_lowered:
0x8: {  	[smem:$0x3FAB] =	sst s0  }
0x9: {  	[smem:$0x3FAC] =	sst s1  }
0xa: {  	[smem:$0x3FAD] =	sst s2  }
0xb: {  	[smem:$0x3FAE] =	sst s3  }
0xc: {  	[smem:$0x3FAF] =	sst s4  }
0xd: {  	[smem:$0x3FB0] =	sst s5  }
0xe: {  	[smem:$0x3FB1] =	sst s6  }
0xf: {  	[smem:$0x3FB2] =	sst s7  }
0x10: {  	[smem:$0x3FB3] =	sst s8  }
0x11: {  	[smem:$0x3FB4] =	sst s9;
	s0 =	simm.s32 @!p0 $0x0  }
0x12: {  	s1 =	sld [smem:$0x3F9A];
	s0 =	simm.s32 @p0 $0x1  }
0x13: {  	[smem:$0x3FB5] =	sst s0;
	s0 =	simm.s32 @!p1 $0x0  }
0x14: {  	s2 =	sld [smem:$0x3F99];
	s0 =	simm.s32 @p1 $0x1  }
0x15: {  	[smem:$0x3FB6] =	sst s0;
	s0 =	simm.s32 @!p2 $0x0  }
0x16: {  	s3 =	sld [smem:$0x3FDB];
	s0 =	simm.s32 @p2 $0x1  }
0x17: {  	s4 =	simm.s32 $0x1BF5;
	[smem:$0x3FB8] =	sst s0  }
0x18: {  	s0 =	sld [smem:$0x3F9B];
	_ =	swait.ge [sflag:s4], $0x0  }
0x19: {  	s7 =	sld [smem:$0x3F9C]  }
0x1a: {  	s8 =	sadd.s32 $0xFFFFE003, lr  }
0x1b: {  	s9 =	sadd.s32 $0xFFFFFEF7, lr;
	s5 =	simm.s32 $0xFFFFFFFF;
	p2 =	slt.u32 s8, $0xFFFFF086  }
0x1c: {  	p1 =	slt.u32 s9, $0xF7A;
	s5 =	simm.s32 @!p2 $0x0  }
0x1d: {  	s5 =	simm.s32 @p1 $0x1;
	p0 =	seq.s32 s7, s2  }
0x1e: {  	s7 =	smul.u32 @!p0 $0xF7A, s2;
	p2 =	seq.s32 @!p0 s5, $0x0  }
0x1f: {  	s9 =	smul.u32 $0xF7A, s1;
	s8 =	simm.s32 @!p0 $0x1BF5;
	p2 =	por !p2, p0  }
0x20: {  	[sflag:s8] =	ssyncset.s32 @!p0 $0xFFFFF086;
	s6 =	sadd.s32 @!p0 s3, s7;
	s7 =	simm.s32 @!p0 $0x108  }
0x21: {  	s3 =	sadd.s32 s3, s9;
	s6 =	sadd.s32 @!p0 $0x88, s6;
	s7 =	simm.s32 @p2 $0x1082  }
0x22: {  	[simem:s7], [sflag:s8] =	dma.local @!p0 [hbm:s6], $0xF7A  }
0x23: {  	s9 =	sor.u32 $0xD0000000, s2;
	s6 =	simm.s32 $0x108;
	_ =	swait.ge @!p0 [sflag:s8], $0x0  }
0x24: {  	s3 =	sadd.s32 $0x88, s3;
	s6 =	simm.s32 @!p1 $0x1082;
	[sflag:s4] =	ssyncset.s32 $0xFFFFF086  }
0x25: {  	[simem:s6], [sflag:s4] =	dma.local [hbm:s3], $0xF7A  }
0x26: {  	[smem:$0x3F9C] =	sst s1;
	(tag) =	ssettag s2;
	_ =	strace s9  }
0x27: {  	s1 =	sld [smem:$0x3FAC]  }
0x28: {  	s2 =	sld [smem:$0x3FAD]  }
0x29: {  	s4 =	sld [smem:$0x3FAF]  }
0x2a: {  	p0 =	seq.s32 s5, $0x0;
	s5 =	sld [smem:$0x3FB0]  }
0x2b: {  	s6 =	sld [smem:$0x3FB1]  }
0x2c: {  	s7 =	sld [smem:$0x3FB2]  }
0x2d: {  	s3 =	simm.s32 $0x108;
	s8 =	sld [smem:$0x3FB3]  }
0x2e: {  	s3 =	simm.s32 @!p0 $0x1082;
	s9 =	sld [smem:$0x3FB4]  }
0x2f: {  	lr =	sadd.s32 s0, s3;
	s0 =	sld [smem:$0x3FAB]  }
0x30: {  	s3 =	sld [smem:$0x3FAE]  }
0x31: {  	[smem:$0x3FB7] =	sst s10  }
0x32: {  	s10 =	sld [smem:$0x3FB5];
	_ =	sdelay $0x3  }
0x33: {  	p0 =	seq.s32 s10, $0x1;
	s10 =	sld [smem:$0x3FB7];
	_ =	sdelay $0x3  }
0x34: {  	[smem:$0x3FB7] =	sst s10  }
0x35: {  	s10 =	sld [smem:$0x3FB6];
	_ =	sdelay $0x3  }
0x36: {  	p1 =	seq.s32 s10, $0x1;
	s10 =	sld [smem:$0x3FB7];
	_ =	sdelay $0x3  }
0x37: {  	[smem:$0x3FB7] =	sst s10  }
0x38: {  	s10 =	sld [smem:$0x3FB8]  }
0x39: {  	_ = 	snop;
	(pc) =	sbr.ind lr, $3  }
0x3a: {  	_ = 	snop  }
0x3b: {  	_ = 	snop  }
0x3c: {  	p2 =	seq.s32 s10, $0x1;
	s10 =	sld [smem:$0x3FB7]  }
0x3d: {  	_ =	shalt  }
0x3e: {  	_ =	shalt  }
0x3f: {  	_ =	shalt  }
0x40: {  	_ =	shalt  }
0x41: {  	_ =	shalt  }
0x42: {  	_ =	shalt  }
0x43: {  	_ =	shalt  }
0x44: {  	_ =	shalt  }
0x45: {  	_ =	shalt  }
0x46: {  	_ =	shalt  }
0x47: {  	_ =	shalt  }
0x48: {  	_ =	shalt  }
0x49: {  	_ =	shalt  }
0x4a: {  	_ =	shalt  }
0x4b: {  	_ =	shalt  }
0x4c: {  	_ =	shalt  }
0x4d: {  	_ =	shalt  }
0x4e: {  	_ =	shalt  }
0x4f: {  	_ =	shalt  }
0x50: {  	_ =	shalt  }
0x51: {  	_ =	shalt  }
0x52: {  	_ =	shalt  }
0x53: {  	_ =	shalt  }
0x54: {  	_ =	shalt  }
0x55: {  	_ =	shalt  }
0x56: {  	_ =	shalt  }
0x57: {  	_ =	shalt  }
0x58: {  	_ =	shalt  }
0x59: {  	_ =	shalt  }
0x5a: {  	_ =	shalt  }
0x5b: {  	_ =	shalt  }
0x5c: {  	_ =	shalt  }
0x5d: {  	_ =	shalt  }
0x5e: {  	_ =	shalt  }
0x5f: {  	_ =	shalt  }
0x60: {  	_ =	shalt  }
0x61: {  	_ =	shalt  }
0x62: {  	_ =	shalt  }
0x63: {  	_ =	shalt  }
0x64: {  	_ =	shalt  }
0x65: {  	_ =	shalt  }
0x66: {  	_ =	shalt  }
0x67: {  	_ =	shalt  }
0x68: {  	_ =	shalt  }
0x69: {  	_ =	shalt  }
0x6a: {  	_ =	shalt  }
0x6b: {  	_ =	shalt  }
0x6c: {  	_ =	shalt  }
0x6d: {  	_ =	shalt  }
0x6e: {  	_ =	shalt  }
0x6f: {  	_ =	shalt  }
0x70: {  	_ =	shalt  }
0x71: {  	_ =	shalt  }
0x72: {  	_ =	shalt  }
0x73: {  	_ =	shalt  }
0x74: {  	_ =	shalt  }
0x75: {  	_ =	shalt  }
0x76: {  	_ =	shalt  }
0x77: {  	_ =	shalt  }
0x78: {  	_ =	shalt  }
0x79: {  	_ =	shalt  }
0x7a: {  	_ =	shalt  }
0x7b: {  	_ =	shalt  }
0x7c: {  	_ =	shalt  }
0x7d: {  	_ =	shalt  }
0x7e: {  	_ =	shalt  }
0x7f: {  	_ =	shalt  }
0x80: {  	_ =	shalt  }
0x81: {  	_ =	shalt  }
0x82: {  	_ =	shalt  }
0x83: {  	_ =	shalt  }
0x84: {  	_ =	shalt  }
0x85: {  	_ =	shalt  }
0x86: {  	_ =	shalt  }
0x87: {  	_ =	shalt  }
.Lfunc_end0:
.L_simem_size_0:
called_computation_lowered:
.L_overlay_start_0:
0x88: {  	s2 =	sld [smem:$0x3FD9]  }
0x89: {  	s3 =	sld [smem:$0x3FFE];
	_ =	sdelay $0x1  }
0x8a: {  	s1 =	srdreg.scid  }
0x8b: {  	s0 =	sand.u32 $0x1, s1  }
0x8c: {  	s17 =	sshll.u32 s0, $0xA;
	s2 =	sadd.s32 s3, s2  }
0x8d: {  	s2 =	sadd.s32 s2, s17  }
0x8e: {  	[smem:$0x3FC3] =	sst s2  }
0x8f: {  	_ = 	snop  }
0x90: {  	s2 =	sld [smem:$0x3FC8];
	(tm) =	ssettm $0x1  }
0x91: {  	s18 =	sld [smem:$0x3FFB];
	_ =	sdelay $0x3  }
0x92: {  	_ =	strace s18  }
0x93: {  	s3 =	sld [smem:$0x3FFC];
	_ =	sdelay $0x3  }
0x94: {  	_ =	strace s3  }
0x95: {  	s3 =	sld [smem:$0x3FFD];
	_ =	sdelay $0x3  }
0x96: {  	_ =	strace s3  }
0x97: {  	_ =	strace $0x8FFFFFFF  }
0x98: {  	s19 =	sld [smem:$0x3FDB];
	_ =	sdelay $0x1  }
0x99: {  	s4 =	simm.s32 $_scs_section_size  }
0x9a: {  	s5 =	simm.s32 $_size__tile_overlayer_lowered;
	s6 =	simm.s32 $_tile_overlayer_lowered  }
0x9b: {  	s22 =	simm.s32 $0x1BFF;
	s21 =	sshll.u32 s6, $0x1;
	s3 =	sadd.s32 s4, s19  }
0x9c: {  	s7 =	simm.s32 $0x0;
	s20 =	sshll.u32 s5, $0x1;
	s5 =	sadd.s32 s21, s3  }
0x9d: {  	[timem:s7], [sflag:s22] =	dma.local [hbm:s5], s20  }
0x9e: {  	_ =	swait.ge [sflag:s22], s20  }
0x9f: {  	s4 =	ssub.s32 $0x0, s20;
	[sflag:s22] =	ssyncset.done $0x0  }
0xa0: {  	[sflag:s22] =	ssyncadd.s32 s4;
	_ =	sdelay $0x1  }
0xa1: {  	s23 =	simm.s32 $0x1B8B  }
0xa2: {  	_ =	swait.ge [sflag:s23], $0x1  }
0xa3: {  	[sflag:s23] =	ssyncset.done $0x0  }
0xa4: {  	s25 =	simm.s32 $0x1B8E;
	s24 =	sld [smem:$0x3FFE];
	[sflag:s23] =	ssyncadd.s32 $0xFFFFFFFF  }
0xa5: {  	s26 =	simm.s32 $execute0_lowered;
	[smem:$0x3FD2] =	sst s25  }
0xa6: {  	s5 =	sshll.u32 s26, $0x1;
	_ =	strace $0x80000046;
	[dreg:$0x1] =	wrdreg $0xFFFFFFFF  }
0xa7: {  	s28 =	simm.s32 $_size_execute0_lowered;
	s3 =	sadd.s32 s3, s5;
	[dreg:$0x0] =	wrdreg $0x0  }
0xa8: {  	s5 =	sshll.u32 s28, $0x1;
	[dreg:$0x2] =	wrdreg s3  }
0xa9: {  	[dreg:$0x3] =	wrdreg s5  }
0xaa: {  	[dreg:$0x4] =	wrdreg $0xC0  }
0xab: {  	_ =	task [dreg:s7], $0x5FFFF  }
0xac: {  	[dreg:$0x1] =	wrdreg $0xFFFFFFFF  }
0xad: {  	[dreg:$0x0] =	wrdreg $0x60  }
0xae: {  	[dreg:$0x2] =	wrdreg s24  }
0xaf: {  	[dreg:$0x3] =	wrdreg s2  }
0xb0: {  	[dreg:$0x4] =	wrdreg $0x9  }
0xb1: {  	_ =	task.clear_ibuf [dreg:s7], $0x5FFFF;
	_ =	strace $0x90000046  }
0xb2: {  	s29 =	simm.s32 $0x9;
	_ =	strace $0x80000048  }
0xb3: {  	_ =	swait.ge [sflag:s29], $0x1  }
0xb4: {  	[sflag:s29] =	ssyncadd.s32 $0xFFFFFFFF  }
0xb5: {  	_ =	strace $0x90000048  }
0xb6: {  	_ =	sfence  }
0xb7: {  	s30 =	sld [smem:$0x0];
	_ =	sdelay $0x2  }
0xb8: {  	s31 =	sshll.u32 s1, $0xD;
	s1 =	sshrl.u32 s1, $0x2  }
0xb9: {  	s3 =	sand.u32 $0x4000, s31;
	s1 =	sadd.s32 s1, s30  }
0xba: {  	s0 =	sor.u32 s3, s0;
	s1 =	sshll.u32 s1, $0x11  }
0xbb: {  	s0 =	sor.u32 s1, s0  }
0xbc: {  	s0 =	sadd.s32 $0x8F2B, s0  }
0xbd: {  	[sflag:s0] =	ssyncadd.remote.s32 $0x1  }
0xbe: {  	_ =	sfence.sel $0xFFFF  }
0xbf: {  	[dreg:$0x0] =	wrdreg $0xFFFFFFFF;
	(pc) =	sbr.abs _section_cstart, $3  }
0xc0: {  	[dreg:$0x1] =	wrdreg $0xFFFFFFFF  }
0xc1: {  	_ =	task.clear_ibuf [dreg:s7], $0x2FFFF;
	_ =	strace $0x9FFFFFFF  }
0xc2: {  	(tm) =	ssettm $0x7FFFFFFF  }
0xc3: {  	_ =	shalt  }
tec
execute0_lowered:
.L_overlay_start_1:
0x0: {  	(tag) =	ssettag $0x1  }
0x1: {  	s1 =	rddreg [dreg:$0x0]  }
0x2: {  	s5 =	rddreg [dreg:$0x1]  }
0x3: {  	s0 =	rddreg [dreg:$0x2];
	s4 =	srdreg.scid  }
0x4: {  	s3 =	simm.s32 $0x0;
	s2 =	stileid.u32;
	s10 =	simm.s32 $0x200  }
0x5: {  	s11 =	simm.s32 $0x400;
	s12 =	simm.s32 $0x2;
	s13 =	simm.s32 $0x600  }
0x6: {  	s14 =	simm.s32 $0x800;
	s15 =	simm.s32 $0x0;
	s4 =	sand.u32 $0x1, s4  }
0x7: {  	[smem:$0x7FF] =	sst s3;
	s6 =	sshll.u32 s2, $0x7;
	s7 =	sshll.u32 s4, $0x6  }
0x8: {  	_ =	strace $0x80000047;
	s31 =	ssub.s32 $0x2, s4;
	s6 =	sor.u32 s7, s6  }
0x9: {  	s4 =	sadd.s32 $0x3200, s1;
	s9 =	sshrl.u32 s31, $0x1;
	s8 =	sadd.s32 s6, s1  }
0xa: {  	s9 =	ssub.s32 s31, s9;
	s5 =	sadd.s32 s5, s6;
	s6 =	sadd.s32 $0x6400, s8  }
0xb: {  	s7 =	sadd.s32 $0x6C00, s8;
	s8 =	smax.u32 s9, $0x1;
	s9 =	simm.s32 $0x1  }
.LBB2_1:
0xc: {  	[tilespmem:s3], [sflag:$0x1] =	stream.linear.gather [hbm4b:s5+s3], $0x200, $0x38;
	[tilespmem:$0xA00] =	vst v63  }
0xd: {  	_ =	swait.ge [sflag:s9], $0x200  }
0xe: {  	[sflag:s9] =	ssyncset.done $0x0  }
0xf: {  	[sflag:s9] =	ssyncadd.s32 $0xFFFFFE00  }
0x10: {  	[tilespmem:s10], [sflag:$0x2] =	stream.indirect.gather [hbm4b:s1+s10], $0x1, s3, s10, $0xb8;
	[tilespmem:$0xA00] =	vst v63  }
0x11: {  	_ = 	snop  }
0x12: {  	[tilespmem:s11], [sflag:$0x2] =	stream.indirect.gather [hbm4b:s4+s10], $0x1, s3, s10, $0xb8;
	[tilespmem:$0xA00] =	vst v63  }
0x13: {  	_ =	swait.ge [sflag:s12], $0x200  }
0x14: {  	[sflag:s12] =	ssyncset.done $0x0  }
0x15: {  	[sflag:s12] =	ssyncadd.s32 $0xFFFFFE00  }
0x16: {  	_ =	swait.ge [sflag:s12], $0x200  }
0x17: {  	[sflag:s12] =	ssyncset.done $0x0  }
0x18: {  	s18 =	simm.s32 $0x0;
	[sflag:s12] =	ssyncadd.s32 $0xFFFFFE00  }
0x19: {  	v0 =	vld [tilespmem:s18+$0x400];
	_ =	sdelay $0x1  }
0x1a: {  	v1 =	vld [tilespmem:s18+$0x200];
	_ =	sdelay $0x2  }
0x1b: {  	v0 =	vsub.f32 $0.0e+00, v0  }
0x1c: {  	s17 =	simm.s32 $0x10  }
0x1d: {  	v2 =	vld [tilespmem:s17+$0x400];
	v1 =	vsub.f32 $0.0e+00, v1;
	v0 =	vmul.f32 $1.442695020e+00, v0;
	_ =	sdelay $0x1  }
0x1e: {  	v1 =	vmul.f32 $1.442695020e+00, v1;
	(erf) = vpow2.f32 v0;
	v0 =	vld [tilespmem:s17+$0x200]  }
0x1f: {  	s16 =	simm.s32 $0x20  }
0x20: {  	(erf) = vpow2.f32 v1;
	v1 =	vld [tilespmem:s16+$0x400]  }
0x21: {  	v2 =	vsub.f32 $0.0e+00, v2  }
0x22: {  	v3 =	vld [tilespmem:s16+$0x200]  }
0x23: {  	v2 =	vmul.f32 $1.442695020e+00, v2;
	v0 =	vsub.f32 $0.0e+00, v0;
	_ =	sdelay $0x1  }
0x24: {  	(erf) = vpow2.f32 v2;
	v1 =	vsub.f32 $0.0e+00, v1;
	v0 =	vmul.f32 $1.442695020e+00, v0  }
0x25: {  	s19 =	simm.s32 $0x30  }
0x26: {  	v2 =	vsub.f32 $0.0e+00, v3;
	v1 =	vmul.f32 $1.442695020e+00, v1;
	v3 =	vpop (erf);
	(erf) = vpow2.f32 v0;
	v0 =	vld [tilespmem:s19+$0x400];
	_ =	sdelay $0x1  }
0x27: {  	v3 =	vadd.f32 $1.000000000e+00, v3;
	v4 =	vpop (erf);
	(erf) = vpow2.f32 v1;
	v1 =	vld [tilespmem:s19+$0x200]  }
0x28: {  	v2 =	vmul.f32 $1.442695020e+00, v2;
	v4 =	vadd.f32 $1.000000000e+00, v4  }
0x29: {  	s20 =	simm.s32 $0x40;
	(erf) = vrcp.f32 v3  }
0x2a: {  	(erf) = vpow2.f32 v2;
	v2 =	vld [tilespmem:s20+$0x400];
	v0 =	vsub.f32 $0.0e+00, v0;
	_ =	sdelay $0x1  }
0x2b: {  	(erf) = vrcp.f32 v4;
	v1 =	vsub.f32 $0.0e+00, v1;
	v4 =	vpop (erf);
	v0 =	vmul.f32 $1.442695020e+00, v0  }
0x2c: {  	v4 =	vadd.f32 $1.000000000e+00, v4  }
0x2d: {  	v1 =	vmul.f32 $1.442695020e+00, v1;
	v5 =	vpop (erf);
	(erf) = vpow2.f32 v0  }
0x2e: {  	v3 =	vld [tilespmem:s20+$0x200];
	v0 =	vsub.f32 $0.0e+00, v2;
	v2 =	vadd.f32 $1.000000000e+00, v5;
	(erf) = vrcp.f32 v4  }
0x2f: {  	(erf) = vpow2.f32 v1  }
0x30: {  	v4 =	vpop (erf);
	(erf) = vrcp.f32 v2  }
0x31: {  	v0 =	vmul.f32 $1.442695020e+00, v0  }
0x32: {  	s21 =	simm.s32 $0x50;
	v6 =	vadd.f32 $1.000000000e+00, v4  }
0x33: {  	v1 =	vsub.f32 $0.0e+00, v3;
	v3 =	vpop (erf);
	v2 =	vld [tilespmem:s21+$0x400];
	(erf) = vpow2.f32 v0  }
0x34: {  	v5 =	vpop (erf);
	v7 =	vmul.f32 $4.000000000e+00, v3;
	v3 =	vld [tilespmem:s21+$0x200];
	(erf) = vrcp.f32 v6;
	_ =	sdelay $0x1  }
0x35: {  	v4 =	vmul.f32 $1.442695020e+00, v1;
	v5 =	vadd.f32 $1.000000000e+00, v5;
	v0 =	vpop (erf)  }
0x36: {  	s22 =	simm.s32 $0x180;
	v1 =	vadd.f32 v0, v0;
	v0 =	vadd.f32 $1.000000000e+00, v7  }
.LBB2_2:
0x37: {  	s23 =	sshra.s32 s22, $0x2;
	v6 =	vsub.f32 $0.0e+00, v2;
	(erf) = vpow2.f32 v4;
	p0 =	sne.s32 s22, $0x7C0  }
.Ltmp0:
0x38: {  	s22 =	sadd.s32 $0x40, s22;
	v2 =	vld [tilespmem:s23+$0x400];
	v4 =	vsub.f32 $0.0e+00, v3;
	v7 =	vpop (erf);
	(erf) = vrcp.f32 v5;
	v1 =	vadd.f32 $1.000000000e+00, v1;
	[tilespmem:s18+$0x800] =	vst v0;
	(pc) =	sbr.rel @p0 .LBB2_2-.Ltmp0, $4  }
0x39: {  	v3 =	vld [tilespmem:s23+$0x200];
	v9 =	vmul.f32 $1.442695020e+00, v6;
	v5 =	vpop (erf)  }
0x3a: {  	v6 =	vadd.f32 $1.000000000e+00, v7;
	v4 =	vmul.f32 $1.442695020e+00, v4;
	v7 =	vpop (erf);
	v8 =	vmul.f32 $4.000000000e+00, v5;
	[tilespmem:s18+$0x600] =	vst v1;
	s18 =	smov.u32 s17;
	s17 =	smov.u32 s16;
	s16 =	smov.u32 s19  }
0x3b: {  	s19 =	smov.u32 s20;
	s20 =	smov.u32 s21;
	s21 =	smov.u32 s23;
	(erf) = vpow2.f32 v9;
	v5 =	vadd.f32 $1.000000000e+00, v7;
	v0 =	vpop (erf)  }
0x3c: {  	(erf) = vrcp.f32 v6;
	v1 =	vadd.f32 v0, v0;
	v0 =	vadd.f32 $1.000000000e+00, v8  }
0x3d: {  	v2 =	vsub.f32 $0.0e+00, v2;
	_ =	sdelay $0x1  }
0x3e: {  	(erf) = vpow2.f32 v4;
	v30 =	vpop (erf);
	v3 =	vsub.f32 $0.0e+00, v3;
	v2 =	vmul.f32 $1.442695020e+00, v2  }
0x3f: {  	(erf) = vrcp.f32 v5;
	v4 =	vadd.f32 $1.000000000e+00, v30  }
0x40: {  	v3 =	vmul.f32 $1.442695020e+00, v3;
	(erf) = vpow2.f32 v2  }
0x41: {  	(erf) = vrcp.f32 v4  }
0x42: {  	v31 =	vpop (erf);
	(erf) = vpow2.f32 v3  }
0x43: {  	v32 =	vpop (erf)  }
0x44: {  	v33 =	vpop (erf)  }
0x45: {  	v34 =	vpop (erf)  }
0x46: {  	v6 =	vpop (erf)  }
0x47: {  	v7 =	vpop (erf)  }
0x48: {  	v3 =	vadd.f32 $1.000000000e+00, v32;
	v8 =	vpop (erf)  }
0x49: {  	v5 =	vadd.f32 $1.000000000e+00, v34;
	v9 =	vpop (erf)  }
0x4a: {  	(erf) = vrcp.f32 v3;
	v35 =	vadd.f32 $1.000000000e+00, v7;
	v36 =	vpop (erf)  }
0x4b: {  	(erf) = vrcp.f32 v5;
	v37 =	vadd.f32 $1.000000000e+00, v9;
	v38 =	vpop (erf)  }
0x4c: {  	(erf) = vrcp.f32 v35;
	v39 =	vadd.f32 $1.000000000e+00, v38  }
0x4d: {  	(erf) = vrcp.f32 v37  }
0x4e: {  	(erf) = vrcp.f32 v39  }
0x4f: {  	v2 =	vmul.f32 $4.000000000e+00, v31  }
0x50: {  	v1 =	vadd.f32 $1.000000000e+00, v1;
	v40 =	vadd.f32 v33, v33  }
0x51: {  	[tilespmem:s18+$0x800] =	vst v0;
	v41 =	vadd.f32 $1.000000000e+00, v2;
	v42 =	vmul.f32 $4.000000000e+00, v6  }
0x52: {  	[tilespmem:s18+$0x600] =	vst v1;
	v43 =	vadd.f32 $1.000000000e+00, v40;
	v44 =	vadd.f32 v8, v8  }
0x53: {  	[tilespmem:s17+$0x800] =	vst v41;
	v45 =	vadd.f32 $1.000000000e+00, v42;
	v46 =	vmul.f32 $4.000000000e+00, v36;
	v47 =	vpop (erf)  }
0x54: {  	[tilespmem:s17+$0x600] =	vst v43;
	v48 =	vadd.f32 $1.000000000e+00, v44;
	v49 =	vadd.f32 v47, v47;
	v50 =	vpop (erf)  }
0x55: {  	[tilespmem:s16+$0x800] =	vst v45;
	v51 =	vadd.f32 $1.000000000e+00, v46;
	v52 =	vmul.f32 $4.000000000e+00, v50;
	v53 =	vpop (erf)  }
0x56: {  	[tilespmem:s16+$0x600] =	vst v48;
	v54 =	vadd.f32 $1.000000000e+00, v49;
	v55 =	vadd.f32 v53, v53;
	v56 =	vpop (erf)  }
0x57: {  	[tilespmem:s19+$0x800] =	vst v51;
	v57 =	vadd.f32 $1.000000000e+00, v52;
	v58 =	vmul.f32 $4.000000000e+00, v56;
	v59 =	vpop (erf)  }
0x58: {  	[tilespmem:s19+$0x600] =	vst v54;
	v60 =	vadd.f32 $1.000000000e+00, v55;
	v61 =	vadd.f32 v59, v59  }
0x59: {  	[tilespmem:s20+$0x800] =	vst v57;
	v62 =	vadd.f32 $1.000000000e+00, v58  }
0x5a: {  	[tilespmem:s20+$0x600] =	vst v60;
	v63 =	vadd.f32 $1.000000000e+00, v61  }
0x5b: {  	[tilespmem:s21+$0x800] =	vst v62  }
0x5c: {  	[tilespmem:s21+$0x600] =	vst v63  }
0x5d: {  	[hbm4b:s6+s3] =	stream.linear.scatter [tilespmem:s13], [sflag:$0x1], $0x200, $0x38;
	[tilespmem:$0xA00] =	vst v63  }
0x5e: {  	s15 =	sadd.s32 $0x1, s15  }
0x5f: {  	[hbm4b:s7+s3] =	stream.linear.scatter [tilespmem:s14], [sflag:$0x1], $0x200, $0x38;
	[tilespmem:$0xA00] =	vst v63  }
0x60: {  	p0 =	sne.s32 s15, s8;
	_ =	swait.ge [sflag:s9], $0x200  }
.Ltmp1:
0x61: {  	[sflag:s9] =	ssyncset.done $0x0;
	(pc) =	sbr.rel @p0 .LBB2_1-.Ltmp1, $4  }
0x62: {  	[sflag:s9] =	ssyncadd.s32 $0xFFFFFE00  }
0x63: {  	_ =	swait.ge [sflag:s9], $0x200  }
0x64: {  	[sflag:s9] =	ssyncset.done $0x0  }
0x65: {  	[sflag:s9] =	ssyncadd.s32 $0xFFFFFE00  }
0x66: {  	_ =	sfence.sel $0x180000  }
0x67: {  	[bflag:$0x0] =	sbarrier.arrive $0xFFFF  }
0x68: {  	p0 =	sne.s32 s2, $0x0;
	_ =	strace $0x90000047  }
0x69: {  	s0 =	sadd.s32 @!p0 $0x100000, s0;
	[bflag:$0x2] =	sbarrier.arrive $0xFFFF  }
0x6a: {  	[sflag:s0] =	ssyncadd.tile.s32 @!p0 $0x1;
	_ =	shalt  }
.Lfunc_end2:
_tile_overlayer_lowered:
.L_overlay_start_2:
0x6b: {  	(tag) =	ssettag $0x2  }
0x6c: {  	s0 =	rddreg [dreg:$0x0];
	s2 =	stileid.u32  }
0x6d: {  	s1 =	rddreg [dreg:$0x1];
	p0 =	sne.s32 s2, $0x0  }
0x6e: {  	s3 =	rddreg [dreg:$0x2];
	[bflag:$0x3] =	sbarrier.arrive $0xFFFF;
	s2 =	simm.s32 @!p0 $0x1C03  }
0x6f: {  	[timem:s3], [sflag:s2] =	dma.local @!p0 [hbm:s0], s1  }
0x70: {  	s0 =	simm.s32 @!p0 $0x3  }
0x71: {  	_ =	swait.ge @!p0 [sflag:s0], s1  }
0x72: {  	s1 =	ssub.s32 @!p0 $0x0, s1;
	[sflag:s0] =	ssyncset.done @!p0 $0x0  }
0x73: {  	[sflag:s0] =	ssyncadd.s32 @!p0 s1  }
0x74: {  	[bflag:$0x3] =	sbarrier.arrive $0xFFFF  }
0x75: {  	_ =	shalt  }

// kernel: kernel.7.cloned.1.call-start
scs
__scs_entry_jumppad:
0x0: {  	(pc) =	sbr.rel $0x88, $3  }
0x1: {  	(tag) =	ssettag $0x0;
	lr =	simm.s32 $0x1  }
0x2: {  	[smem:$0x3F9C] =	sst lr;
	_ =	strace $0xD0000000  }
0x3: {  	_ = 	snop  }
0x4: {  	_ = 	snop  }
0x5: {  	_ = 	snop  }
0x6: {  	_ = 	snop  }
0x7: {  	_ = 	snop  }
__scs_overlays_trampoline_lowered:
0x8: {  	[smem:$0x3FAB] =	sst s0  }
0x9: {  	[smem:$0x3FAC] =	sst s1  }
0xa: {  	[smem:$0x3FAD] =	sst s2  }
0xb: {  	[smem:$0x3FAE] =	sst s3  }
0xc: {  	[smem:$0x3FAF] =	sst s4  }
0xd: {  	[smem:$0x3FB0] =	sst s5  }
0xe: {  	[smem:$0x3FB1] =	sst s6  }
0xf: {  	[smem:$0x3FB2] =	sst s7  }
0x10: {  	[smem:$0x3FB3] =	sst s8  }
0x11: {  	[smem:$0x3FB4] =	sst s9;
	s0 =	simm.s32 @!p0 $0x0  }
0x12: {  	s1 =	sld [smem:$0x3F9A];
	s0 =	simm.s32 @p0 $0x1  }
0x13: {  	[smem:$0x3FB5] =	sst s0;
	s0 =	simm.s32 @!p1 $0x0  }
0x14: {  	s2 =	sld [smem:$0x3F99];
	s0 =	simm.s32 @p1 $0x1  }
0x15: {  	[smem:$0x3FB6] =	sst s0;
	s0 =	simm.s32 @!p2 $0x0  }
0x16: {  	s3 =	sld [smem:$0x3FDB];
	s0 =	simm.s32 @p2 $0x1  }
0x17: {  	s4 =	simm.s32 $0x1BF5;
	[smem:$0x3FB8] =	sst s0  }
0x18: {  	s0 =	sld [smem:$0x3F9B];
	_ =	swait.ge [sflag:s4], $0x0  }
0x19: {  	s7 =	sld [smem:$0x3F9C]  }
0x1a: {  	s8 =	sadd.s32 $0xFFFFE003, lr  }
0x1b: {  	s9 =	sadd.s32 $0xFFFFFEF7, lr;
	s5 =	simm.s32 $0xFFFFFFFF;
	p2 =	slt.u32 s8, $0xFFFFF086  }
0x1c: {  	p1 =	slt.u32 s9, $0xF7A;
	s5 =	simm.s32 @!p2 $0x0  }
0x1d: {  	s5 =	simm.s32 @p1 $0x1;
	p0 =	seq.s32 s7, s2  }
0x1e: {  	s7 =	smul.u32 @!p0 $0xF7A, s2;
	p2 =	seq.s32 @!p0 s5, $0x0  }
0x1f: {  	s9 =	smul.u32 $0xF7A, s1;
	s8 =	simm.s32 @!p0 $0x1BF5;
	p2 =	por !p2, p0  }
0x20: {  	[sflag:s8] =	ssyncset.s32 @!p0 $0xFFFFF086;
	s6 =	sadd.s32 @!p0 s3, s7;
	s7 =	simm.s32 @!p0 $0x108  }
0x21: {  	s3 =	sadd.s32 s3, s9;
	s6 =	sadd.s32 @!p0 $0x88, s6;
	s7 =	simm.s32 @p2 $0x1082  }
0x22: {  	[simem:s7], [sflag:s8] =	dma.local @!p0 [hbm:s6], $0xF7A  }
0x23: {  	s9 =	sor.u32 $0xD0000000, s2;
	s6 =	simm.s32 $0x108;
	_ =	swait.ge @!p0 [sflag:s8], $0x0  }
0x24: {  	s3 =	sadd.s32 $0x88, s3;
	s6 =	simm.s32 @!p1 $0x1082;
	[sflag:s4] =	ssyncset.s32 $0xFFFFF086  }
0x25: {  	[simem:s6], [sflag:s4] =	dma.local [hbm:s3], $0xF7A  }
0x26: {  	[smem:$0x3F9C] =	sst s1;
	(tag) =	ssettag s2;
	_ =	strace s9  }
0x27: {  	s1 =	sld [smem:$0x3FAC]  }
0x28: {  	s2 =	sld [smem:$0x3FAD]  }
0x29: {  	s4 =	sld [smem:$0x3FAF]  }
0x2a: {  	p0 =	seq.s32 s5, $0x0;
	s5 =	sld [smem:$0x3FB0]  }
0x2b: {  	s6 =	sld [smem:$0x3FB1]  }
0x2c: {  	s7 =	sld [smem:$0x3FB2]  }
0x2d: {  	s3 =	simm.s32 $0x108;
	s8 =	sld [smem:$0x3FB3]  }
0x2e: {  	s3 =	simm.s32 @!p0 $0x1082;
	s9 =	sld [smem:$0x3FB4]  }
0x2f: {  	lr =	sadd.s32 s0, s3;
	s0 =	sld [smem:$0x3FAB]  }
0x30: {  	s3 =	sld [smem:$0x3FAE]  }
0x31: {  	[smem:$0x3FB7] =	sst s10  }
0x32: {  	s10 =	sld [smem:$0x3FB5];
	_ =	sdelay $0x3  }
0x33: {  	p0 =	seq.s32 s10, $0x1;
	s10 =	sld [smem:$0x3FB7];
	_ =	sdelay $0x3  }
0x34: {  	[smem:$0x3FB7] =	sst s10  }
0x35: {  	s10 =	sld [smem:$0x3FB6];
	_ =	sdelay $0x3  }
0x36: {  	p1 =	seq.s32 s10, $0x1;
	s10 =	sld [smem:$0x3FB7];
	_ =	sdelay $0x3  }
0x37: {  	[smem:$0x3FB7] =	sst s10  }
0x38: {  	s10 =	sld [smem:$0x3FB8]  }
0x39: {  	_ = 	snop;
	(pc) =	sbr.ind lr, $3  }
0x3a: {  	_ = 	snop  }
0x3b: {  	_ = 	snop  }
0x3c: {  	p2 =	seq.s32 s10, $0x1;
	s10 =	sld [smem:$0x3FB7]  }
0x3d: {  	_ =	shalt  }
0x3e: {  	_ =	shalt  }
0x3f: {  	_ =	shalt  }
0x40: {  	_ =	shalt  }
0x41: {  	_ =	shalt  }
0x42: {  	_ =	shalt  }
0x43: {  	_ =	shalt  }
0x44: {  	_ =	shalt  }
0x45: {  	_ =	shalt  }
0x46: {  	_ =	shalt  }
0x47: {  	_ =	shalt  }
0x48: {  	_ =	shalt  }
0x49: {  	_ =	shalt  }
0x4a: {  	_ =	shalt  }
0x4b: {  	_ =	shalt  }
0x4c: {  	_ =	shalt  }
0x4d: {  	_ =	shalt  }
0x4e: {  	_ =	shalt  }
0x4f: {  	_ =	shalt  }
0x50: {  	_ =	shalt  }
0x51: {  	_ =	shalt  }
0x52: {  	_ =	shalt  }
0x53: {  	_ =	shalt  }
0x54: {  	_ =	shalt  }
0x55: {  	_ =	shalt  }
0x56: {  	_ =	shalt  }
0x57: {  	_ =	shalt  }
0x58: {  	_ =	shalt  }
0x59: {  	_ =	shalt  }
0x5a: {  	_ =	shalt  }
0x5b: {  	_ =	shalt  }
0x5c: {  	_ =	shalt  }
0x5d: {  	_ =	shalt  }
0x5e: {  	_ =	shalt  }
0x5f: {  	_ =	shalt  }
0x60: {  	_ =	shalt  }
0x61: {  	_ =	shalt  }
0x62: {  	_ =	shalt  }
0x63: {  	_ =	shalt  }
0x64: {  	_ =	shalt  }
0x65: {  	_ =	shalt  }
0x66: {  	_ =	shalt  }
0x67: {  	_ =	shalt  }
0x68: {  	_ =	shalt  }
0x69: {  	_ =	shalt  }
0x6a: {  	_ =	shalt  }
0x6b: {  	_ =	shalt  }
0x6c: {  	_ =	shalt  }
0x6d: {  	_ =	shalt  }
0x6e: {  	_ =	shalt  }
0x6f: {  	_ =	shalt  }
0x70: {  	_ =	shalt  }
0x71: {  	_ =	shalt  }
0x72: {  	_ =	shalt  }
0x73: {  	_ =	shalt  }
0x74: {  	_ =	shalt  }
0x75: {  	_ =	shalt  }
0x76: {  	_ =	shalt  }
0x77: {  	_ =	shalt  }
0x78: {  	_ =	shalt  }
0x79: {  	_ =	shalt  }
0x7a: {  	_ =	shalt  }
0x7b: {  	_ =	shalt  }
0x7c: {  	_ =	shalt  }
0x7d: {  	_ =	shalt  }
0x7e: {  	_ =	shalt  }
0x7f: {  	_ =	shalt  }
0x80: {  	_ =	shalt  }
0x81: {  	_ =	shalt  }
0x82: {  	_ =	shalt  }
0x83: {  	_ =	shalt  }
0x84: {  	_ =	shalt  }
0x85: {  	_ =	shalt  }
0x86: {  	_ =	shalt  }
0x87: {  	_ =	shalt  }
.Lfunc_end0:
.L_simem_size_0:
called_computation.1_lowered:
.L_overlay_start_0:
0x88: {  	s2 =	sld [smem:$0x3FD9]  }
0x89: {  	s3 =	sld [smem:$0x3FFE];
	_ =	sdelay $0x1  }
0x8a: {  	s1 =	srdreg.scid  }
0x8b: {  	s0 =	sand.u32 $0x1, s1  }
0x8c: {  	s17 =	sshll.u32 s0, $0xA;
	s2 =	sadd.s32 s3, s2  }
0x8d: {  	s2 =	sadd.s32 s2, s17  }
0x8e: {  	[smem:$0x3FC3] =	sst s2  }
0x8f: {  	_ = 	snop  }
0x90: {  	s2 =	sld [smem:$0x3FC9]  }
0x91: {  	s18 =	sld [smem:$0x3FD0];
	(tm) =	ssettm $0x1  }
0x92: {  	s4 =	sld [smem:$0x3FFB];
	_ =	sdelay $0x3  }
0x93: {  	_ =	strace s4  }
0x94: {  	s4 =	sld [smem:$0x3FFC];
	_ =	sdelay $0x3  }
0x95: {  	_ =	strace s4  }
0x96: {  	s4 =	sld [smem:$0x3FFD];
	_ =	sdelay $0x3  }
0x97: {  	_ =	strace s4  }
0x98: {  	_ =	strace $0x8FFFFFFF  }
0x99: {  	s19 =	sld [smem:$0x3FDB];
	_ =	sdelay $0x1  }
0x9a: {  	s5 =	simm.s32 $_scs_section_size  }
0x9b: {  	s6 =	simm.s32 $_size__tile_overlayer_lowered;
	s7 =	simm.s32 $_tile_overlayer_lowered  }
0x9c: {  	s22 =	simm.s32 $0x1BFF;
	s21 =	sshll.u32 s7, $0x1;
	s4 =	sadd.s32 s5, s19  }
0x9d: {  	s8 =	simm.s32 $0x0;
	s20 =	sshll.u32 s6, $0x1;
	s6 =	sadd.s32 s21, s4  }
0x9e: {  	[timem:s8], [sflag:s22] =	dma.local [hbm:s6], s20  }
0x9f: {  	_ =	swait.ge [sflag:s22], s20  }
0xa0: {  	s5 =	ssub.s32 $0x0, s20;
	[sflag:s22] =	ssyncset.done $0x0  }
0xa1: {  	[sflag:s22] =	ssyncadd.s32 s5;
	_ =	sdelay $0x1  }
0xa2: {  	s23 =	simm.s32 $0x1B8B  }
0xa3: {  	_ =	swait.ge [sflag:s23], $0x1  }
0xa4: {  	[sflag:s23] =	ssyncset.done $0x0  }
0xa5: {  	s25 =	simm.s32 $0x1B8E;
	s24 =	sld [smem:$0x3FFE];
	[sflag:s23] =	ssyncadd.s32 $0xFFFFFFFF  }
0xa6: {  	s26 =	simm.s32 $execute0_lowered;
	[smem:$0x3FD2] =	sst s25  }
0xa7: {  	s6 =	sshll.u32 s26, $0x1;
	_ =	strace $0x80000049;
	[dreg:$0x1] =	wrdreg $0xFFFFFFFF  }
0xa8: {  	s28 =	simm.s32 $_size_execute0_lowered;
	s4 =	sadd.s32 s4, s6;
	[dreg:$0x0] =	wrdreg $0x0  }
0xa9: {  	s6 =	sshll.u32 s28, $0x1;
	[dreg:$0x2] =	wrdreg s4  }
0xaa: {  	[dreg:$0x3] =	wrdreg s6  }
0xab: {  	[dreg:$0x4] =	wrdreg $0xC0  }
0xac: {  	_ =	task [dreg:s8], $0x5FFFF  }
0xad: {  	[dreg:$0x1] =	wrdreg $0xFFFFFFFF  }
0xae: {  	[dreg:$0x0] =	wrdreg $0x60  }
0xaf: {  	[dreg:$0x2] =	wrdreg s24  }
0xb0: {  	[dreg:$0x3] =	wrdreg s2  }
0xb1: {  	[dreg:$0x4] =	wrdreg s18  }
0xb2: {  	[dreg:$0x5] =	wrdreg $0x9  }
0xb3: {  	_ =	task.clear_ibuf [dreg:s8], $0x6FFFF;
	_ =	strace $0x90000049  }
0xb4: {  	s29 =	simm.s32 $0x9;
	_ =	strace $0x8000004B  }
0xb5: {  	_ =	swait.ge [sflag:s29], $0x1  }
0xb6: {  	[sflag:s29] =	ssyncadd.s32 $0xFFFFFFFF  }
0xb7: {  	_ =	strace $0x9000004B  }
0xb8: {  	_ =	sfence  }
0xb9: {  	s30 =	sld [smem:$0x0];
	_ =	sdelay $0x2  }
0xba: {  	s31 =	sshll.u32 s1, $0xD;
	s1 =	sshrl.u32 s1, $0x2  }
0xbb: {  	s3 =	sand.u32 $0x4000, s31;
	s1 =	sadd.s32 s1, s30  }
0xbc: {  	s0 =	sor.u32 s3, s0;
	s1 =	sshll.u32 s1, $0x11  }
0xbd: {  	s0 =	sor.u32 s1, s0  }
0xbe: {  	s0 =	sadd.s32 $0x8F2B, s0  }
0xbf: {  	[sflag:s0] =	ssyncadd.remote.s32 $0x1  }
0xc0: {  	_ =	sfence.sel $0xFFFF  }
0xc1: {  	[dreg:$0x0] =	wrdreg $0xFFFFFFFF;
	(pc) =	sbr.abs _section_cstart, $3  }
0xc2: {  	[dreg:$0x1] =	wrdreg $0xFFFFFFFF  }
0xc3: {  	_ =	task.clear_ibuf [dreg:s8], $0x2FFFF;
	_ =	strace $0x9FFFFFFF  }
0xc4: {  	(tm) =	ssettm $0x7FFFFFFF  }
0xc5: {  	_ =	shalt  }
tec
execute0_lowered:
.L_overlay_start_1:
0x0: {  	(tag) =	ssettag $0x1  }
0x1: {  	s4 =	rddreg [dreg:$0x0]  }
0x2: {  	s5 =	rddreg [dreg:$0x1]  }
0x3: {  	s7 =	rddreg [dreg:$0x2]  }
0x4: {  	s0 =	rddreg [dreg:$0x3]  }
0x5: {  	s2 =	simm.s32 $0x0;
	s3 =	srdreg.scid;
	s1 =	stileid.u32  }
0x6: {  	s11 =	simm.s32 $0x1;
	s12 =	simm.s32 $0x200;
	s13 =	simm.s32 $0x2  }
0x7: {  	s14 =	simm.s32 $0x800;
	s15 =	simm.s32 $0x3;
	s16 =	simm.s32 $0x0  }
0x8: {  	[smem:$0x7FF] =	sst s2;
	s3 =	sand.u32 $0x1, s3;
	s6 =	sshll.u32 s1, $0x7  }
0x9: {  	_ =	strace $0x8000004A;
	s8 =	sshll.u32 s3, $0x6;
	s9 =	ssub.s32 $0x2, s3  }
0xa: {  	s3 =	sadd.s32 $0x7400, s4;
	s8 =	sor.u32 s8, s6;
	s31 =	sshrl.u32 s9, $0x1  }
0xb: {  	s10 =	sadd.s32 s8, s4;
	s9 =	ssub.s32 s9, s31;
	s4 =	sadd.s32 s5, s8  }
0xc: {  	s7 =	sadd.s32 s7, s8;
	s5 =	sadd.s32 $0x6400, s10;
	s6 =	sadd.s32 $0x6C00, s10  }
0xd: {  	s8 =	smax.u32 s9, $0x1;
	s9 =	simm.s32 $0x400;
	s10 =	simm.s32 $0x600  }
.LBB2_1:
0xe: {  	[tilespmem:s2], [sflag:$0x1] =	stream.linear.gather [hbm4b:s4+s2], $0x200, $0x38;
	[tilespmem:$0xA00] =	vst v63  }
0xf: {  	_ = 	snop  }
0x10: {  	[tilespmem:s9], [sflag:$0x1] =	stream.linear.gather [hbm4b:s5+s2], $0x200, $0x38;
	[tilespmem:$0xA00] =	vst v63  }
0x11: {  	_ = 	snop  }
0x12: {  	[tilespmem:s10], [sflag:$0x1] =	stream.linear.gather [hbm4b:s6+s2], $0x200, $0x38;
	[tilespmem:$0xA00] =	vst v63  }
0x13: {  	_ =	swait.ge [sflag:s11], $0x200  }
0x14: {  	[sflag:s11] =	ssyncset.done $0x0  }
0x15: {  	[sflag:s11] =	ssyncadd.s32 $0xFFFFFE00  }
0x16: {  	[tilespmem:s12], [sflag:$0x2] =	stream.indirect.gather [hbm4b:s3+s12], $0x1, s2, s12, $0xb8;
	[tilespmem:$0xA00] =	vst v63  }
0x17: {  	_ =	swait.ge [sflag:s11], $0x200  }
0x18: {  	[sflag:s11] =	ssyncset.done $0x0  }
0x19: {  	[sflag:s11] =	ssyncadd.s32 $0xFFFFFE00  }
0x1a: {  	_ =	swait.ge [sflag:s11], $0x200  }
0x1b: {  	[sflag:s11] =	ssyncset.done $0x0  }
0x1c: {  	[sflag:s11] =	ssyncadd.s32 $0xFFFFFE00  }
0x1d: {  	_ =	swait.ge [sflag:s13], $0x200  }
0x1e: {  	[sflag:s13] =	ssyncset.done $0x0  }
0x1f: {  	s26 =	simm.s32 $0x0;
	[sflag:s13] =	ssyncadd.s32 $0xFFFFFE00  }
0x20: {  	v0 =	vld [tilespmem:s26+$0x200];
	_ =	sdelay $0x3  }
0x21: {  	s24 =	simm.s32 $0x10  }
0x22: {  	v1 =	vld [tilespmem:s24+$0x200];
	v0 =	vsub.f32 $0.0e+00, v0;
	_ =	sdelay $0x1  }
0x23: {  	v0 =	vmul.f32 $1.442695020e+00, v0;
	_ =	sdelay $0x1  }
0x24: {  	s23 =	simm.s32 $0x20;
	(erf) = vpow2.f32 v0  }
0x25: {  	v0 =	vsub.f32 $0.0e+00, v1;
	v1 =	vld [tilespmem:s23+$0x200];
	_ =	sdelay $0x1  }
0x26: {  	v0 =	vmul.f32 $1.442695020e+00, v0;
	_ =	sdelay $0x1  }
0x27: {  	(erf) = vpow2.f32 v0  }
0x28: {  	s21 =	simm.s32 $0x30;
	v0 =	vsub.f32 $0.0e+00, v1  }
0x29: {  	v1 =	vld [tilespmem:s21+$0x200]  }
0x2a: {  	v0 =	vmul.f32 $1.442695020e+00, v0  }
0x2b: {  	s20 =	simm.s32 $0x40;
	v2 =	vpop (erf)  }
0x2c: {  	(erf) = vpow2.f32 v0;
	v0 =	vld [tilespmem:s20+$0x200];
	v2 =	vadd.f32 $1.000000000e+00, v2;
	_ =	sdelay $0x1  }
0x2d: {  	v1 =	vsub.f32 $0.0e+00, v1;
	(erf) = vrcp.f32 v2;
	_ =	sdelay $0x1  }
0x2e: {  	v1 =	vmul.f32 $1.442695020e+00, v1;
	v2 =	vpop (erf)  }
0x2f: {  	v0 =	vsub.f32 $0.0e+00, v0;
	v2 =	vadd.f32 $1.000000000e+00, v2  }
0x30: {  	(erf) = vpow2.f32 v1  }
0x31: {  	s17 =	simm.s32 $0x50;
	v0 =	vmul.f32 $1.442695020e+00, v0;
	(erf) = vrcp.f32 v2  }
0x32: {  	v1 =	vld [tilespmem:s17+$0x200];
	_ =	sdelay $0x1  }
0x33: {  	s18 =	simm.s32 $0x60;
	v3 =	vld [tilespmem:s26+$0x600];
	v2 =	vpop (erf)  }
0x34: {  	v4 =	vld [tilespmem:s18+$0x200];
	(erf) = vpow2.f32 v0;
	v2 =	vadd.f32 $1.000000000e+00, v2;
	v0 =	vpop (erf)  }
0x35: {  	v0 =	vmul.f32 $4.000000000e+00, v0  }
0x36: {  	v1 =	vsub.f32 $0.0e+00, v1;
	(erf) = vrcp.f32 v2;
	v2 =	vld [tilespmem:s26+$0x400]  }
0x37: {  	v0 =	vadd.f32 $1.000000000e+00, v0  }
0x38: {  	v1 =	vmul.f32 $1.442695020e+00, v1;
	v5 =	vpop (erf)  }
0x39: {  	v4 =	vsub.f32 $0.0e+00, v4;
	v6 =	vpop (erf);
	v0 =	vsub.f32 v0, v3  }
0x3a: {  	(erf) = vpow2.f32 v1;
	v5 =	vadd.f32 $1.000000000e+00, v5;
	v3 =	vmul.f32 $4.000000000e+00, v6  }
0x3b: {  	s19 =	simm.s32 $0x70;
	v1 =	vld [tilespmem:s24+$0x600];
	v0 =	vmul.f32 v0, v2  }
0x3c: {  	v4 =	vmul.f32 $1.442695020e+00, v4;
	v2 =	vld [tilespmem:s19+$0x200];
	v3 =	vadd.f32 $1.000000000e+00, v3  }
0x3d: {  	(erf) = vrcp.f32 v5;
	v6 =	vld [tilespmem:s24+$0x400];
	v0 =	vsub.f32 $0.0e+00, v0  }
0x3e: {  	v5 =	vpop (erf);
	(erf) = vpow2.f32 v4  }
0x3f: {  	v5 =	vadd.f32 $1.000000000e+00, v5;
	v0 =	vmul.f32 $1.442695020e+00, v0  }
0x40: {  	s22 =	simm.s32 $0x80;
	v4 =	vld [tilespmem:s23+$0x600];
	v1 =	vsub.f32 v3, v1;
	v3 =	vpop (erf)  }
0x41: {  	(erf) = vrcp.f32 v5;
	v5 =	vld [tilespmem:s22+$0x200];
	v2 =	vsub.f32 $0.0e+00, v2;
	v3 =	vmul.f32 $4.000000000e+00, v3  }
0x42: {  	v1 =	vmul.f32 v1, v6;
	v6 =	vld [tilespmem:s23+$0x400]  }
0x43: {  	(erf) = vpow2.f32 v0;
	v2 =	vmul.f32 $1.442695020e+00, v2;
	v0 =	vpop (erf);
	v3 =	vadd.f32 $1.000000000e+00, v3  }
0x44: {  	v1 =	vsub.f32 $0.0e+00, v1;
	v0 =	vadd.f32 $1.000000000e+00, v0  }
0x45: {  	(erf) = vpow2.f32 v2;
	v2 =	vsub.f32 v3, v4  }
0x46: {  	v7 =	vpop (erf);
	v1 =	vmul.f32 $1.442695020e+00, v1;
	v3 =	vld [tilespmem:s21+$0x600];
	(erf) = vrcp.f32 v0  }
0x47: {  	v4 =	vsub.f32 $0.0e+00, v5;
	v0 =	vmul.f32 $4.000000000e+00, v7;
	v2 =	vmul.f32 v2, v6;
	v6 =	vpop (erf)  }
0x48: {  	s25 =	simm.s32 $0x90;
	v5 =	vld [tilespmem:s21+$0x400];
	(erf) = vpow2.f32 v1;
	v6 =	vadd.f32 $1.000000000e+00, v6  }
0x49: {  	v1 =	vld [tilespmem:s25+$0x200];
	v4 =	vmul.f32 $1.442695020e+00, v4;
	v0 =	vadd.f32 $1.000000000e+00, v0;
	v2 =	vsub.f32 $0.0e+00, v2;
	_ =	sdelay $0x1  }
0x4a: {  	(erf) = vpow2.f32 v4;
	v0 =	vsub.f32 v0, v3;
	v3 =	vpop (erf);
	v2 =	vmul.f32 $1.442695020e+00, v2  }
0x4b: {  	(erf) = vrcp.f32 v6;
	v6 =	vpop (erf)  }
0x4c: {  	v0 =	vmul.f32 v0, v5;
	v5 =	vadd.f32 $1.000000000e+00, v6  }
0x4d: {  	v1 =	vsub.f32 $0.0e+00, v1;
	(erf) = vpow2.f32 v2  }
0x4e: {  	v4 =	vld [tilespmem:s20+$0x600];
	v2 =	vpop (erf);
	(erf) = vrcp.f32 v5  }
0x4f: {  	v3 =	vmul.f32 $4.000000000e+00, v3;
	v1 =	vmul.f32 $1.442695020e+00, v1  }
0x50: {  	s28 =	simm.s32 $0xA0;
	v6 =	vsub.f32 $0.0e+00, v0;
	v0 =	vld [tilespmem:s20+$0x400];
	v8 =	vadd.f32 $1.000000000e+00, v2  }
0x51: {  	v3 =	vadd.f32 $1.000000000e+00, v3;
	v2 =	vld [tilespmem:s28+$0x200];
	(erf) = vpow2.f32 v1  }
0x52: {  	v7 =	vpop (erf);
	(erf) = vrcp.f32 v8  }
0x53: {  	v5 =	vsub.f32 v3, v4;
	v9 =	vpop (erf)  }
0x54: {  	s29 =	simm.s32 $0x2C0;
	v4 =	vmul.f32 $1.442695020e+00, v6;
	v1 =	vld [tilespmem:s17+$0x600];
	v3 =	vmul.f32 $4.000000000e+00, v7;
	v6 =	vadd.f32 $1.000000000e+00, v9  }
.LBB2_2:
0x55: {  	s30 =	sshra.s32 s29, $0x2  }
0x56: {  	v8 =	vsub.f32 $0.0e+00, v2;
	v5 =	vmul.f32 v5, v0;
	v0 =	vld [tilespmem:s17+$0x400];
	(erf) = vpow2.f32 v4;
	s31 =	smov.u32 s24;
	s24 =	smov.u32 s23;
	p0 =	sne.s32 s29, $0x7C0  }
.Ltmp0:
0x57: {  	s23 =	smov.u32 s21;
	s21 =	smov.u32 s20;
	v2 =	vld [tilespmem:s30+$0x200];
	v4 =	vpop (erf);
	(erf) = vrcp.f32 v6;
	(pc) =	sbr.rel @p0 .LBB2_2-.Ltmp0, $4  }
0x58: {  	s20 =	smov.u32 s17;
	s17 =	smov.u32 s18;
	s18 =	smov.u32 s19;
	v3 =	vadd.f32 $1.000000000e+00, v3;
	v6 =	vmul.f32 $1.442695020e+00, v8;
	v7 =	vpop (erf);
	v11 =	vsub.f32 $0.0e+00, v5  }
0x59: {  	s19 =	smov.u32 s22;
	s22 =	smov.u32 s25;
	s25 =	smov.u32 s28;
	v9 =	vadd.f32 $1.000000000e+00, v4;
	v10 =	vpop (erf)  }
0x5a: {  	s28 =	smov.u32 s30;
	(erf) = vpow2.f32 v6;
	v5 =	vsub.f32 v3, v1;
	v4 =	vmul.f32 $1.442695020e+00, v11;
	v8 =	vpop (erf)  }
0x5b: {  	s29 =	sadd.s32 $0x40, s29;
	v3 =	vmul.f32 $4.000000000e+00, v7;
	v6 =	vadd.f32 $1.000000000e+00, v10;
	(erf) = vrcp.f32 v9;
	v1 =	vld [tilespmem:s17+$0x600];
	[tilespmem:s26+$0x800] =	vst v8;
	s26 =	smov.u32 s31  }
0x5c: {  	v2 =	vsub.f32 $0.0e+00, v2;
	v0 =	vmul.f32 v5, v0  }
0x5d: {  	v21 =	vpop (erf)  }
0x5e: {  	(erf) = vpow2.f32 v4;
	v22 =	vpop (erf);
	v2 =	vmul.f32 $1.442695020e+00, v2;
	v0 =	vsub.f32 $0.0e+00, v0  }
0x5f: {  	v7 =	vld [tilespmem:s17+$0x400];
	(erf) = vrcp.f32 v6;
	v5 =	vadd.f32 $1.000000000e+00, v21;
	v23 =	vpop (erf)  }
0x60: {  	v8 =	vld [tilespmem:s18+$0x600];
	v3 =	vadd.f32 $1.000000000e+00, v3;
	(erf) = vpow2.f32 v2;
	v0 =	vmul.f32 $1.442695020e+00, v0;
	v24 =	vpop (erf)  }
0x61: {  	v4 =	vmul.f32 $4.000000000e+00, v22;
	(erf) = vrcp.f32 v5;
	[tilespmem:s26+$0x800] =	vst v24  }
0x62: {  	v1 =	vsub.f32 v3, v1;
	v2 =	vld [tilespmem:s18+$0x400];
	(erf) = vpow2.f32 v0  }
0x63: {  	v25 =	vadd.f32 $1.000000000e+00, v4  }
0x64: {  	v1 =	vmul.f32 v1, v7  }
0x65: {  	v0 =	vsub.f32 v25, v8;
	v26 =	vpop (erf)  }
0x66: {  	v27 =	vadd.f32 $1.000000000e+00, v23;
	v28 =	vpop (erf);
	v1 =	vsub.f32 $0.0e+00, v1  }
0x67: {  	v3 =	vadd.f32 $1.000000000e+00, v26;
	v29 =	vpop (erf);
	v0 =	vmul.f32 v0, v2  }
0x68: {  	(erf) = vrcp.f32 v27;
	v1 =	vmul.f32 $1.442695020e+00, v1;
	v30 =	vpop (erf)  }
0x69: {  	(erf) = vrcp.f32 v3;
	v31 =	vadd.f32 $1.000000000e+00, v29;
	v32 =	vpop (erf);
	v0 =	vsub.f32 $0.0e+00, v0  }
0x6a: {  	v33 =	vld [tilespmem:s19+$0x600];
	v5 =	vmul.f32 $4.000000000e+00, v28;
	(erf) = vpow2.f32 v1;
	v34 =	vpop (erf);
	v4 =	vadd.f32 $1.000000000e+00, v32  }
0x6b: {  	[tilespmem:s24+$0x800] =	vst v30;
	(erf) = vrcp.f32 v31;
	v35 =	vpop (erf);
	v0 =	vmul.f32 $1.442695020e+00, v0  }
0x6c: {  	v36 =	vld [tilespmem:s19+$0x400];
	(erf) = vrcp.f32 v4;
	v2 =	vadd.f32 $1.000000000e+00, v35  }
0x6d: {  	v37 =	vadd.f32 $1.000000000e+00, v5;
	(erf) = vpow2.f32 v0  }
0x6e: {  	(erf) = vrcp.f32 v2  }
0x6f: {  	v38 =	vsub.f32 v37, v33;
	_ =	sdelay $0x1  }
0x70: {  	v0 =	vmul.f32 v38, v36;
	v39 =	vpop (erf)  }
0x71: {  	v41 =	vpop (erf)  }
0x72: {  	v40 =	vld [tilespmem:s22+$0x600];
	[tilespmem:s23+$0x800] =	vst v39;
	v0 =	vsub.f32 $0.0e+00, v0;
	v43 =	vpop (erf)  }
0x73: {  	v1 =	vmul.f32 $4.000000000e+00, v34;
	v42 =	vld [tilespmem:s22+$0x400];
	v44 =	vpop (erf)  }
0x74: {  	v45 =	vld [tilespmem:s25+$0x600];
	v0 =	vmul.f32 $1.442695020e+00, v0;
	[tilespmem:s21+$0x800] =	vst v44;
	v46 =	vpop (erf)  }
0x75: {  	v1 =	vadd.f32 $1.000000000e+00, v1;
	v2 =	vmul.f32 $4.000000000e+00, v41;
	v47 =	vld [tilespmem:s25+$0x400];
	v9 =	vpop (erf)  }
0x76: {  	v10 =	vld [tilespmem:s28+$0x600];
	(erf) = vpow2.f32 v0;
	v48 =	vpop (erf)  }
0x77: {  	v1 =	vsub.f32 v1, v40;
	v2 =	vadd.f32 $1.000000000e+00, v2;
	v49 =	vmul.f32 $4.000000000e+00, v46;
	[tilespmem:s20+$0x800] =	vst v48  }
0x78: {  	v0 =	vld [tilespmem:s28+$0x400]  }
0x79: {  	v1 =	vmul.f32 v1, v42;
	v2 =	vsub.f32 v2, v45;
	v50 =	vadd.f32 $1.000000000e+00, v49;
	_ =	sdelay $0x1  }
0x7a: {  	v1 =	vsub.f32 $0.0e+00, v1;
	v2 =	vmul.f32 v2, v47;
	v3 =	vsub.f32 v50, v10  }
0x7b: {  	v51 =	vadd.f32 $1.000000000e+00, v43  }
0x7c: {  	v1 =	vmul.f32 $1.442695020e+00, v1;
	v2 =	vsub.f32 $0.0e+00, v2;
	v0 =	vmul.f32 v3, v0  }
0x7d: {  	(erf) = vrcp.f32 v51;
	v52 =	vadd.f32 $1.000000000e+00, v9  }
0x7e: {  	(erf) = vpow2.f32 v1;
	v2 =	vmul.f32 $1.442695020e+00, v2;
	v53 =	vpop (erf);
	v0 =	vsub.f32 $0.0e+00, v0  }
0x7f: {  	(erf) = vrcp.f32 v52;
	v1 =	vadd.f32 $1.000000000e+00, v53  }
0x80: {  	(erf) = vpow2.f32 v2;
	v0 =	vmul.f32 $1.442695020e+00, v0  }
0x81: {  	(erf) = vrcp.f32 v1  }
0x82: {  	(erf) = vpow2.f32 v0;
	_ =	sdelay $0x3  }
0x83: {  	v54 =	vpop (erf)  }
0x84: {  	v55 =	vpop (erf)  }
0x85: {  	v56 =	vpop (erf)  }
0x86: {  	v57 =	vpop (erf)  }
0x87: {  	v1 =	vadd.f32 $1.000000000e+00, v55;
	v58 =	vpop (erf)  }
0x88: {  	v3 =	vadd.f32 $1.000000000e+00, v57;
	v59 =	vpop (erf)  }
0x89: {  	(erf) = vrcp.f32 v1;
	v60 =	vadd.f32 $1.000000000e+00, v59  }
0x8a: {  	(erf) = vrcp.f32 v3  }
0x8b: {  	(erf) = vrcp.f32 v60;
	_ =	sdelay $0x4  }
0x8c: {  	[tilespmem:s17+$0x800] =	vst v54  }
0x8d: {  	[tilespmem:s18+$0x800] =	vst v56  }
0x8e: {  	[tilespmem:s19+$0x800] =	vst v58;
	v61 =	vpop (erf)  }
0x8f: {  	s16 =	sadd.s32 $0x1, s16;
	[tilespmem:s22+$0x800] =	vst v61;
	v62 =	vpop (erf)  }
0x90: {  	p0 =	sne.s32 s16, s8;
	[tilespmem:s25+$0x800] =	vst v62;
	v63 =	vpop (erf)  }
.Ltmp1:
0x91: {  	[tilespmem:s28+$0x800] =	vst v63;
	(pc) =	sbr.rel @p0 .LBB2_1-.Ltmp1, $4  }
0x92: {  	[hbm4b:s7+s2] =	stream.linear.scatter [tilespmem:s14], [sflag:$0x3], $0x200, $0x38;
	[tilespmem:$0xA00] =	vst v63  }
0x93: {  	_ =	swait.ge [sflag:s15], $0x200  }
0x94: {  	[sflag:s15] =	ssyncset.done $0x0  }
0x95: {  	[sflag:s15] =	ssyncadd.s32 $0xFFFFFE00  }
0x96: {  	_ =	sfence.sel $0x180000  }
0x97: {  	[bflag:$0x0] =	sbarrier.arrive $0xFFFF  }
0x98: {  	p0 =	sne.s32 s1, $0x0;
	_ =	strace $0x9000004A  }
0x99: {  	s0 =	sadd.s32 @!p0 $0x100000, s0;
	[bflag:$0x2] =	sbarrier.arrive $0xFFFF  }
0x9a: {  	[sflag:s0] =	ssyncadd.tile.s32 @!p0 $0x1;
	_ =	shalt  }
.Lfunc_end2:
_tile_overlayer_lowered:
.L_overlay_start_2:
0x9b: {  	(tag) =	ssettag $0x2  }
0x9c: {  	s0 =	rddreg [dreg:$0x0];
	s2 =	stileid.u32  }
0x9d: {  	s1 =	rddreg [dreg:$0x1];
	p0 =	sne.s32 s2, $0x0  }
0x9e: {  	s3 =	rddreg [dreg:$0x2];
	[bflag:$0x3] =	sbarrier.arrive $0xFFFF;
	s2 =	simm.s32 @!p0 $0x1C03  }
0x9f: {  	[timem:s3], [sflag:s2] =	dma.local @!p0 [hbm:s0], s1  }
0xa0: {  	s0 =	simm.s32 @!p0 $0x3  }
0xa1: {  	_ =	swait.ge @!p0 [sflag:s0], s1  }
0xa2: {  	s1 =	ssub.s32 @!p0 $0x0, s1;
	[sflag:s0] =	ssyncset.done @!p0 $0x0  }
0xa3: {  	[sflag:s0] =	ssyncadd.s32 @!p0 s1  }
0xa4: {  	[bflag:$0x3] =	sbarrier.arrive $0xFFFF  }
0xa5: {  	_ =	shalt  }

</sc_bundles>
